<compile_context>
chip_gen: v7x
topology: tpu7x:2x2x1
jax: 0.10.2.dev20260603
libtpu: 0.0.44.dev20260713+nightly
codegen_flags: <defaults>
</compile_context>

<pallas_src>
import functools

import jax
import jax.numpy as jnp
from jax import lax
from jax.experimental import pallas as pl
from jax.experimental.pallas import tpu as pltpu
from jax.experimental.pallas import tpu_sc as plsc

_LANES = 16


def _sc_embed(idx_t, w_flat, *, num_workers):
    jhi, ihi_total, jlo, ilo = idx_t.shape
    ihi_per_w = ihi_total // num_workers

    mesh = plsc.VectorSubcoreMesh(core_axis_name="c", subcore_axis_name="s")

    ihi_c = ihi_per_w // 2

    @functools.partial(
        pl.kernel,
        mesh=mesh,
        out_type=jax.ShapeDtypeStruct(
            (jlo * jhi, ihi_total, 4, ilo), jnp.float32
        ),
        scratch_types=[
            pltpu.VMEM((2, ihi_c, jlo, ilo), jnp.int32),
            pltpu.VMEM((2, jlo, ihi_c, 4, ilo), jnp.float32),
            pltpu.VMEM((32,), jnp.float32),
            pltpu.SemaphoreType.DMA,
            pltpu.SemaphoreType.DMA,
            pltpu.SemaphoreType.DMA,
            pltpu.SemaphoreType.DMA,
        ],
        compiler_params=pltpu.CompilerParams(needs_layout_passes=False),
    )
    def body(idx_hbm, w_hbm, out_hbm, idx_v, out_v, w_v, si0, si1, so0, so1):
        num_cores = lax.axis_size("c")
        wid = lax.axis_index("s") * num_cores + lax.axis_index("c")
        ihi0 = wid * ihi_per_w
        sem_in = (si0, si1)
        sem_out = (so0, so1)

        pltpu.sync_copy(w_hbm, w_v)

        def in_slice(jh, half):
            return idx_hbm.at[jh, pl.ds(ihi0 + half * ihi_c, ihi_c)]

        def out_slice(jh, half):
            return out_hbm.at[
                pl.ds(jh * jlo, jlo), pl.ds(ihi0 + half * ihi_c, ihi_c)
            ]

        pltpu.make_async_copy(in_slice(0, 0), idx_v.at[0], si0).start()

        def jh_body(jh, _):
            for half in (0, 1):
                if half == 0:
                    pltpu.make_async_copy(
                        in_slice(jh, 1), idx_v.at[1], si1
                    ).start()
                else:

                    @pl.when(jh < jhi - 1)
                    def _():
                        pltpu.make_async_copy(
                            in_slice(jh + 1, 0), idx_v.at[0], si0
                        ).start()

                pltpu.make_async_copy(
                    in_slice(jh, half), idx_v.at[half], sem_in[half]
                ).wait()

                @pl.when(jh >= 1)
                def _():
                    pltpu.make_async_copy(
                        out_v.at[half], out_slice(jh, half), sem_out[half]
                    ).wait()

                vgroups = ilo // _LANES
                vb = vgroups.bit_length() - 1
                ib = ihi_c.bit_length() - 1

                @plsc.parallel_loop(0, jlo * ihi_c * vgroups, unroll=32)
                def _(t):
                    jl = lax.shift_right_logical(t, ib + vb)
                    ih = lax.bitwise_and(
                        lax.shift_right_logical(t, vb), ihi_c - 1
                    )
                    v = lax.bitwise_and(t, vgroups - 1) * _LANES
                    ivec = idx_v[half, ih, jl, pl.ds(v, _LANES)]
                    for c in range(4):
                        out_v[half, jl, ih, c, pl.ds(v, _LANES)] = (
                            plsc.load_gather(w_v.at[pl.ds(c * 8, 8)], [ivec])
                        )
                pltpu.make_async_copy(
                    out_v.at[half], out_slice(jh, half), sem_out[half]
                ).start()
            return 0

        lax.fori_loop(0, jhi, jh_body, 0)
        for half in (0, 1):
            pltpu.make_async_copy(
                out_v.at[half], out_slice(jhi - 1, half), sem_out[half]
            ).wait()

    return body(idx_t, w_flat)


def kernel(indices, weight):
    n_rows, n_cols = indices.shape
    v, d = weight.shape
    jhi, jlo = n_cols // 8, 8
    ihi, ilo = n_rows // 128, 128
    idx_t = (
        indices.astype(jnp.int32)
        .reshape(ihi, ilo, jhi, jlo)
        .transpose(2, 0, 3, 1)
    )
    w_flat = weight.T.reshape(-1)
    o4 = _sc_embed(idx_t, w_flat, num_workers=32)
    return o4.transpose(1, 3, 0, 2).reshape(n_rows, n_cols, d)

# --- scband reference (transcript-rebuilt; emitter-appended) ---
"""Pipeline reference for scband-fake-embedding-model-83623013253243 (READ-ONLY COPY).

The authoritative reference and input builder live on the scoring server;
editing this copy changes nothing except your own understanding.
"""

import jax, jax.numpy as jnp
import numpy as np


def setup_inputs(seed: int = 0) -> dict:
    key = jax.random.key(seed)
    k1, k2 = jax.random.split(key)
    indices = jax.random.randint(k1, (16384, 200), 0, 8)
    weight = jax.random.normal(k2, (8, 4), dtype=jnp.float32)
    return {"indices": indices, "weight": weight}


def reference(indices, weight):
    # nn.Embedding forward: row-gather from the embedding table
    return jnp.take(weight, indices, axis=0)

if __name__ == "__main__":
    import jax
    _d = setup_inputs()
    print(jax.jit(kernel)(*tuple(_d.values())))

</pallas_src>

<mosaic_0001>
#map = affine_map<(d0, d1) -> (0, 0, 0, 0)>
#map1 = affine_map<(d0, d1) -> (0)>
module attributes {stable_mosaic.version = 14 : i64} {
  func.func @body(%arg0: i32, %arg1: i32, %arg2: memref<25x128x8x128xi32, #tpu.memory_space<hbm>>, %arg3: memref<32xf32, #tpu.memory_space<hbm>>, %arg4: memref<200x128x4x128xf32, #tpu.memory_space<hbm>>, %arg5: memref<2x2x8x128xi32, #tpu.memory_space<vmem>>, %arg6: memref<2x8x2x4x128xf32, #tpu.memory_space<vmem>>, %arg7: memref<32xf32, #tpu.memory_space<vmem>>, %arg8: memref<!tpu.dma_semaphore, #tpu.memory_space<semaphore_mem>>, %arg9: memref<!tpu.dma_semaphore, #tpu.memory_space<semaphore_mem>>, %arg10: memref<!tpu.dma_semaphore, #tpu.memory_space<semaphore_mem>>, %arg11: memref<!tpu.dma_semaphore, #tpu.memory_space<semaphore_mem>>) attributes {dimension_semantics = [#tpu.dimension_semantics<core_parallel>, #tpu.dimension_semantics<subcore_parallel>], iteration_bounds = array<i64: 2, 16>, scalar_prefetch = 0 : i64, scratch_operands = 7 : i64, tpu.core_type = #tpu.core_type<sc_vector_subcore>, window_params = [{transform_indices = #map}, {transform_indices = #map1}, {transform_indices = #map}]} {
    %mul3A = arith.constant 2 : i32
    %mul3A_0 = arith.muli %arg1, %mul3A : i32
    %add3A = arith.addi %mul3A_0, %arg0 : i32
    %mul3A_1 = arith.constant 4 : i32
    %mul3A_2 = arith.muli %add3A, %mul3A_1 : i32
    "tpu.region"() ({
      %run_scoped3A = tpu.sem_alloc : memref<!tpu.dma_semaphore, #tpu.memory_space<semaphore_mem>>
      tpu.enqueue_dma source(%arg3 : memref<32xf32, #tpu.memory_space<hbm>>) target(%arg7 : memref<32xf32, #tpu.memory_space<vmem>>) target_semaphore(%run_scoped3A : memref<!tpu.dma_semaphore, #tpu.memory_space<semaphore_mem>>)
      tpu.wait_dma2 semaphore(%run_scoped3A : memref<!tpu.dma_semaphore, #tpu.memory_space<semaphore_mem>>) src(%arg3 : memref<32xf32, #tpu.memory_space<hbm>>) dst(%arg7 : memref<32xf32, #tpu.memory_space<vmem>>)
      tpu.yield
    }) : () -> ()
    %add3A_3 = arith.constant 0 : i32
    %add3A_4 = arith.addi %mul3A_2, %add3A_3 : i32
    %dma_start3A = arith.constant 0 : i32
    %dma_start3A_5 = arith.constant 0 : i32
    %dma_start3A_6 = arith.constant 0 : i32
    %dma_start3A_7 = arith.constant 0 : i32
    %dma_start3A_8 = arith.constant 0 : i32
    %dma_start3A_9 = tpu.memref_slice %arg5[%dma_start3A_5, %dma_start3A_6, %dma_start3A_7, %dma_start3A_8] : memref<2x2x8x128xi32, #tpu.memory_space<vmem>> -> memref<1x2x8x128xi32, #tpu.memory_space<vmem>>
    %dma_start3A_10 = tpu.memref_squeeze %dma_start3A_9 : memref<1x2x8x128xi32, #tpu.memory_space<vmem>> -> memref<2x8x128xi32, #tpu.memory_space<vmem>>
    %dma_start3A_11 = arith.constant 0 : i32
    %dma_start3A_12 = arith.constant 0 : i32
    %dma_start3A_13 = tpu.memref_slice %arg2[%dma_start3A, %add3A_4, %dma_start3A_11, %dma_start3A_12] : memref<25x128x8x128xi32, #tpu.memory_space<hbm>> -> memref<1x2x8x128xi32, #tpu.memory_space<hbm>>
    %dma_start3A_14 = tpu.memref_squeeze %dma_start3A_13 : memref<1x2x8x128xi32, #tpu.memory_space<hbm>> -> memref<2x8x128xi32, #tpu.memory_space<hbm>>
    %dma_start3A_15 = arith.constant 0 : i32
    %dma_start3A_16 = arith.constant 0 : i32
    %dma_start3A_17 = arith.constant 0 : i32
    %dma_start3A_18 = tpu.memref_slice %arg5[%dma_start3A_5, %dma_start3A_15, %dma_start3A_16, %dma_start3A_17] : memref<2x2x8x128xi32, #tpu.memory_space<vmem>> -> memref<1x2x8x128xi32, #tpu.memory_space<vmem>>
    %dma_start3A_19 = tpu.memref_squeeze %dma_start3A_18 : memref<1x2x8x128xi32, #tpu.memory_space<vmem>> -> memref<2x8x128xi32, #tpu.memory_space<vmem>>
    %dma_start3A_20 = arith.constant 0 : i32
    %dma_start3A_21 = arith.constant 0 : i32
    %dma_start3A_22 = tpu.memref_slice %arg2[%dma_start3A, %add3A_4, %dma_start3A_20, %dma_start3A_21] : memref<25x128x8x128xi32, #tpu.memory_space<hbm>> -> memref<1x2x8x128xi32, #tpu.memory_space<hbm>>
    %dma_start3A_23 = tpu.memref_squeeze %dma_start3A_22 : memref<1x2x8x128xi32, #tpu.memory_space<hbm>> -> memref<2x8x128xi32, #tpu.memory_space<hbm>>
    tpu.enqueue_dma source(%dma_start3A_23 : memref<2x8x128xi32, #tpu.memory_space<hbm>>) target(%dma_start3A_19 : memref<2x8x128xi32, #tpu.memory_space<vmem>>) target_semaphore(%arg8 : memref<!tpu.dma_semaphore, #tpu.memory_space<semaphore_mem>>)
    %scan3A = arith.constant 0 : i32
    %scan3A_24 = arith.constant 0 : i32
    %scan3A_25 = arith.constant 25 : i32
    %scan3A_26 = arith.addi %scan3A_24, %scan3A_25 : i32
    %scan3A_27 = arith.constant 1 : i32
    %scan3A_28 = scf.for %scan3A_75 = %scan3A_24 to %scan3A_26 step %scan3A_27 iter_args(%scan3A_76 = %scan3A) -> (i32)  : i32 {
      %add3A_77 = arith.constant 2 : i32
      %add3A_78 = arith.addi %mul3A_2, %add3A_77 : i32
      %dma_start3A_79 = arith.constant 1 : i32
      %dma_start3A_80 = arith.constant 0 : i32
      %dma_start3A_81 = arith.constant 0 : i32
      %dma_start3A_82 = arith.constant 0 : i32
      %dma_start3A_83 = tpu.memref_slice %arg5[%dma_start3A_79, %dma_start3A_80, %dma_start3A_81, %dma_start3A_82] : memref<2x2x8x128xi32, #tpu.memory_space<vmem>> -> memref<1x2x8x128xi32, #tpu.memory_space<vmem>>
      %dma_start3A_84 = tpu.memref_squeeze %dma_start3A_83 : memref<1x2x8x128xi32, #tpu.memory_space<vmem>> -> memref<2x8x128xi32, #tpu.memory_space<vmem>>
      %dma_start3A_85 = arith.constant 0 : i32
      %dma_start3A_86 = arith.constant 0 : i32
      %dma_start3A_87 = tpu.memref_slice %arg2[%scan3A_75, %add3A_78, %dma_start3A_85, %dma_start3A_86] : memref<25x128x8x128xi32, #tpu.memory_space<hbm>> -> memref<1x2x8x128xi32, #tpu.memory_space<hbm>>
      %dma_start3A_88 = tpu.memref_squeeze %dma_start3A_87 : memref<1x2x8x128xi32, #tpu.memory_space<hbm>> -> memref<2x8x128xi32, #tpu.memory_space<hbm>>
      %dma_start3A_89 = arith.constant 0 : i32
      %dma_start3A_90 = arith.constant 0 : i32
      %dma_start3A_91 = arith.constant 0 : i32
      %dma_start3A_92 = tpu.memref_slice %arg5[%dma_start3A_79, %dma_start3A_89, %dma_start3A_90, %dma_start3A_91] : memref<2x2x8x128xi32, #tpu.memory_space<vmem>> -> memref<1x2x8x128xi32, #tpu.memory_space<vmem>>
      %dma_start3A_93 = tpu.memref_squeeze %dma_start3A_92 : memref<1x2x8x128xi32, #tpu.memory_space<vmem>> -> memref<2x8x128xi32, #tpu.memory_space<vmem>>
      %dma_start3A_94 = arith.constant 0 : i32
      %dma_start3A_95 = arith.constant 0 : i32
      %dma_start3A_96 = tpu.memref_slice %arg2[%scan3A_75, %add3A_78, %dma_start3A_94, %dma_start3A_95] : memref<25x128x8x128xi32, #tpu.memory_space<hbm>> -> memref<1x2x8x128xi32, #tpu.memory_space<hbm>>
      %dma_start3A_97 = tpu.memref_squeeze %dma_start3A_96 : memref<1x2x8x128xi32, #tpu.memory_space<hbm>> -> memref<2x8x128xi32, #tpu.memory_space<hbm>>
      tpu.enqueue_dma source(%dma_start3A_97 : memref<2x8x128xi32, #tpu.memory_space<hbm>>) target(%dma_start3A_93 : memref<2x8x128xi32, #tpu.memory_space<vmem>>) target_semaphore(%arg9 : memref<!tpu.dma_semaphore, #tpu.memory_space<semaphore_mem>>)
      %add3A_98 = arith.constant 0 : i32
      %add3A_99 = arith.addi %mul3A_2, %add3A_98 : i32
      %dma_wait3A_100 = arith.constant 0 : i32
      %dma_wait3A_101 = arith.constant 0 : i32
      %dma_wait3A_102 = arith.constant 0 : i32
      %dma_wait3A_103 = arith.constant 0 : i32
      %dma_wait3A_104 = tpu.memref_slice %arg5[%dma_wait3A_100, %dma_wait3A_101, %dma_wait3A_102, %dma_wait3A_103] : memref<2x2x8x128xi32, #tpu.memory_space<vmem>> -> memref<1x2x8x128xi32, #tpu.memory_space<vmem>>
      %dma_wait3A_105 = tpu.memref_squeeze %dma_wait3A_104 : memref<1x2x8x128xi32, #tpu.memory_space<vmem>> -> memref<2x8x128xi32, #tpu.memory_space<vmem>>
      %dma_wait3A_106 = arith.constant 0 : i32
      %dma_wait3A_107 = arith.constant 0 : i32
      %dma_wait3A_108 = tpu.memref_slice %arg2[%scan3A_75, %add3A_99, %dma_wait3A_106, %dma_wait3A_107] : memref<25x128x8x128xi32, #tpu.memory_space<hbm>> -> memref<1x2x8x128xi32, #tpu.memory_space<hbm>>
      %dma_wait3A_109 = tpu.memref_squeeze %dma_wait3A_108 : memref<1x2x8x128xi32, #tpu.memory_space<hbm>> -> memref<2x8x128xi32, #tpu.memory_space<hbm>>
      %dma_wait3A_110 = arith.constant 0 : i32
      %dma_wait3A_111 = arith.constant 0 : i32
      %dma_wait3A_112 = arith.constant 0 : i32
      %dma_wait3A_113 = tpu.memref_slice %arg5[%dma_wait3A_100, %dma_wait3A_110, %dma_wait3A_111, %dma_wait3A_112] : memref<2x2x8x128xi32, #tpu.memory_space<vmem>> -> memref<1x2x8x128xi32, #tpu.memory_space<vmem>>
      %dma_wait3A_114 = tpu.memref_squeeze %dma_wait3A_113 : memref<1x2x8x128xi32, #tpu.memory_space<vmem>> -> memref<2x8x128xi32, #tpu.memory_space<vmem>>
      %dma_wait3A_115 = arith.constant 0 : i32
      %dma_wait3A_116 = arith.constant 0 : i32
      %dma_wait3A_117 = tpu.memref_slice %arg2[%scan3A_75, %add3A_99, %dma_wait3A_115, %dma_wait3A_116] : memref<25x128x8x128xi32, #tpu.memory_space<hbm>> -> memref<1x2x8x128xi32, #tpu.memory_space<hbm>>
      %dma_wait3A_118 = tpu.memref_squeeze %dma_wait3A_117 : memref<1x2x8x128xi32, #tpu.memory_space<hbm>> -> memref<2x8x128xi32, #tpu.memory_space<hbm>>
      tpu.wait_dma2 semaphore(%arg8 : memref<!tpu.dma_semaphore, #tpu.memory_space<semaphore_mem>>) src(%dma_wait3A_118 : memref<2x8x128xi32, #tpu.memory_space<hbm>>) dst(%dma_wait3A_114 : memref<2x8x128xi32, #tpu.memory_space<vmem>>)
      %ge3A = arith.constant 1 : i32
      %ge3A_119 = arith.cmpi sge, %scan3A_75, %ge3A : i32
      %convert_element_type3A = arith.extui %ge3A_119 : i1 to i32
      %cond3A = arith.constant 0 : i32
      %cond3A_120 = arith.cmpi ne, %convert_element_type3A, %cond3A : i32
      scf.if %cond3A_120 {
        %mul3A_203 = arith.constant 8 : i32
        %mul3A_204 = arith.muli %scan3A_75, %mul3A_203 : i32
        %add3A_205 = arith.constant 0 : i32
        %add3A_206 = arith.addi %mul3A_2, %add3A_205 : i32
        %dma_wait3A_207 = arith.constant 0 : i32
        %dma_wait3A_208 = arith.constant 0 : i32
        %dma_wait3A_209 = arith.constant 0 : i32
        %dma_wait3A_210 = arith.constant 0 : i32
        %dma_wait3A_211 = arith.constant 0 : i32
        %dma_wait3A_212 = tpu.memref_slice %arg6[%dma_wait3A_207, %dma_wait3A_208, %dma_wait3A_209, %dma_wait3A_210, %dma_wait3A_211] : memref<2x8x2x4x128xf32, #tpu.memory_space<vmem>> -> memref<1x8x2x4x128xf32, #tpu.memory_space<vmem>>
        %dma_wait3A_213 = tpu.memref_squeeze %dma_wait3A_212 : memref<1x8x2x4x128xf32, #tpu.memory_space<vmem>> -> memref<8x2x4x128xf32, #tpu.memory_space<vmem>>
        %dma_wait3A_214 = arith.constant 0 : i32
        %dma_wait3A_215 = arith.constant 0 : i32
        %dma_wait3A_216 = tpu.memref_slice %arg4[%mul3A_204, %add3A_206, %dma_wait3A_214, %dma_wait3A_215] : memref<200x128x4x128xf32, #tpu.memory_space<hbm>> -> memref<8x2x4x128xf32, #tpu.memory_space<hbm>>
        %dma_wait3A_217 = arith.constant 0 : i32
        %dma_wait3A_218 = arith.constant 0 : i32
        %dma_wait3A_219 = tpu.memref_slice %arg4[%mul3A_204, %add3A_206, %dma_wait3A_217, %dma_wait3A_218] : memref<200x128x4x128xf32, #tpu.memory_space<hbm>> -> memref<8x2x4x128xf32, #tpu.memory_space<hbm>>
        %dma_wait3A_220 = arith.constant 0 : i32
        %dma_wait3A_221 = arith.constant 0 : i32
        %dma_wait3A_222 = arith.constant 0 : i32
        %dma_wait3A_223 = arith.constant 0 : i32
        %dma_wait3A_224 = tpu.memref_slice %arg6[%dma_wait3A_207, %dma_wait3A_220, %dma_wait3A_221, %dma_wait3A_222, %dma_wait3A_223] : memref<2x8x2x4x128xf32, #tpu.memory_space<vmem>> -> memref<1x8x2x4x128xf32, #tpu.memory_space<vmem>>
        %dma_wait3A_225 = tpu.memref_squeeze %dma_wait3A_224 : memref<1x8x2x4x128xf32, #tpu.memory_space<vmem>> -> memref<8x2x4x128xf32, #tpu.memory_space<vmem>>
        tpu.wait_dma2 semaphore(%arg10 : memref<!tpu.dma_semaphore, #tpu.memory_space<semaphore_mem>>) src(%dma_wait3A_225 : memref<8x2x4x128xf32, #tpu.memory_space<vmem>>) dst(%dma_wait3A_219 : memref<8x2x4x128xf32, #tpu.memory_space<hbm>>)
      } else {
      }
      %parallel_loop3A = arith.constant 0 : i32
      %parallel_loop3A_121 = arith.constant 128 : i32
      %parallel_loop3A_122 = arith.constant 1 : i32
      scf.for %parallel_loop3A_203 = %parallel_loop3A to %parallel_loop3A_121 step %parallel_loop3A_122  : i32 {
        %parallel_loop3A_204 = arith.constant 4 : i32
        %parallel_loop3A_205 = arith.shrui %parallel_loop3A_203, %parallel_loop3A_204 : i32
        %parallel_loop3A_206 = arith.constant 3 : i32
        %parallel_loop3A_207 = arith.shrui %parallel_loop3A_203, %parallel_loop3A_206 : i32
        %parallel_loop3A_208 = arith.constant 1 : i32
        %parallel_loop3A_209 = arith.andi %parallel_loop3A_207, %parallel_loop3A_208 : i32
        %parallel_loop3A_210 = arith.constant 7 : i32
        %parallel_loop3A_211 = arith.andi %parallel_loop3A_203, %parallel_loop3A_210 : i32
        %parallel_loop3A_212 = arith.constant 16 : i32
        %parallel_loop3A_213 = arith.muli %parallel_loop3A_211, %parallel_loop3A_212 : i32
        %parallel_loop3A_214 = arith.constant 0 : i32
        %parallel_loop3A_215 = arith.index_cast %parallel_loop3A_214 : i32 to index
        %parallel_loop3A_216 = arith.index_cast %parallel_loop3A_209 : i32 to index
        %parallel_loop3A_217 = arith.index_cast %parallel_loop3A_205 : i32 to index
        %parallel_loop3A_218 = arith.index_cast %parallel_loop3A_213 : i32 to index
        %parallel_loop3A_219 = tpu.vector_load %arg5[%parallel_loop3A_215, %parallel_loop3A_216, %parallel_loop3A_217, %parallel_loop3A_218] {strides = array<i32>} : memref<2x2x8x128xi32, #tpu.memory_space<vmem>>, vector<16xi32>,
        %parallel_loop3A_220 = arith.constant 0 : i32
        %parallel_loop3A_221 = tpu.memref_slice %arg7[%parallel_loop3A_220] : memref<32xf32, #tpu.memory_space<vmem>> -> memref<8xf32, #tpu.memory_space<vmem>>
        %parallel_loop3A_222 = tpu.vector_load_idx %parallel_loop3A_221[%parallel_loop3A_219] : memref<8xf32, #tpu.memory_space<vmem>>[vector<16xi32>], vector<16xf32>,
        %parallel_loop3A_223 = arith.constant 0 : i32
        %parallel_loop3A_224 = arith.constant 0 : i32
        %parallel_loop3A_225 = arith.index_cast %parallel_loop3A_223 : i32 to index
        %parallel_loop3A_226 = arith.index_cast %parallel_loop3A_205 : i32 to index
        %parallel_loop3A_227 = arith.index_cast %parallel_loop3A_209 : i32 to index
        %parallel_loop3A_228 = arith.index_cast %parallel_loop3A_224 : i32 to index
        %parallel_loop3A_229 = arith.index_cast %parallel_loop3A_213 : i32 to index
        %parallel_loop3A_230 = tpu.vector_load %arg6[%parallel_loop3A_225, %parallel_loop3A_226, %parallel_loop3A_227, %parallel_loop3A_228, %parallel_loop3A_229] {strides = array<i32>} : memref<2x8x2x4x128xf32, #tpu.memory_space<vmem>>, vector<16xf32>,
        tpu.vector_store %arg6[%parallel_loop3A_225, %parallel_loop3A_226, %parallel_loop3A_227, %parallel_loop3A_228, %parallel_loop3A_229], %parallel_loop3A_222 {strides = array<i32>} : memref<2x8x2x4x128xf32, #tpu.memory_space<vmem>>, vector<16xf32>,
        %parallel_loop3A_231 = arith.constant 8 : i32
        %parallel_loop3A_232 = tpu.memref_slice %arg7[%parallel_loop3A_231] : memref<32xf32, #tpu.memory_space<vmem>> -> memref<8xf32, #tpu.memory_space<vmem>>
        %parallel_loop3A_233 = tpu.vector_load_idx %parallel_loop3A_232[%parallel_loop3A_219] : memref<8xf32, #tpu.memory_space<vmem>>[vector<16xi32>], vector<16xf32>,
        %parallel_loop3A_234 = arith.constant 0 : i32
        %parallel_loop3A_235 = arith.constant 1 : i32
        %parallel_loop3A_236 = arith.index_cast %parallel_loop3A_234 : i32 to index
        %parallel_loop3A_237 = arith.index_cast %parallel_loop3A_205 : i32 to index
        %parallel_loop3A_238 = arith.index_cast %parallel_loop3A_209 : i32 to index
        %parallel_loop3A_239 = arith.index_cast %parallel_loop3A_235 : i32 to index
        %parallel_loop3A_240 = arith.index_cast %parallel_loop3A_213 : i32 to index
        %parallel_loop3A_241 = tpu.vector_load %arg6[%parallel_loop3A_236, %parallel_loop3A_237, %parallel_loop3A_238, %parallel_loop3A_239, %parallel_loop3A_240] {strides = array<i32>} : memref<2x8x2x4x128xf32, #tpu.memory_space<vmem>>, vector<16xf32>,
        tpu.vector_store %arg6[%parallel_loop3A_236, %parallel_loop3A_237, %parallel_loop3A_238, %parallel_loop3A_239, %parallel_loop3A_240], %parallel_loop3A_233 {strides = array<i32>} : memref<2x8x2x4x128xf32, #tpu.memory_space<vmem>>, vector<16xf32>,
        %parallel_loop3A_242 = arith.constant 16 : i32
        %parallel_loop3A_243 = tpu.memref_slice %arg7[%parallel_loop3A_242] : memref<32xf32, #tpu.memory_space<vmem>> -> memref<8xf32, #tpu.memory_space<vmem>>
        %parallel_loop3A_244 = tpu.vector_load_idx %parallel_loop3A_243[%parallel_loop3A_219] : memref<8xf32, #tpu.memory_space<vmem>>[vector<16xi32>], vector<16xf32>,
        %parallel_loop3A_245 = arith.constant 0 : i32
        %parallel_loop3A_246 = arith.constant 2 : i32
        %parallel_loop3A_247 = arith.index_cast %parallel_loop3A_245 : i32 to index
        %parallel_loop3A_248 = arith.index_cast %parallel_loop3A_205 : i32 to index
        %parallel_loop3A_249 = arith.index_cast %parallel_loop3A_209 : i32 to index
        %parallel_loop3A_250 = arith.index_cast %parallel_loop3A_246 : i32 to index
        %parallel_loop3A_251 = arith.index_cast %parallel_loop3A_213 : i32 to index
        %parallel_loop3A_252 = tpu.vector_load %arg6[%parallel_loop3A_247, %parallel_loop3A_248, %parallel_loop3A_249, %parallel_loop3A_250, %parallel_loop3A_251] {strides = array<i32>} : memref<2x8x2x4x128xf32, #tpu.memory_space<vmem>>, vector<16xf32>,
        tpu.vector_store %arg6[%parallel_loop3A_247, %parallel_loop3A_248, %parallel_loop3A_249, %parallel_loop3A_250, %parallel_loop3A_251], %parallel_loop3A_244 {strides = array<i32>} : memref<2x8x2x4x128xf32, #tpu.memory_space<vmem>>, vector<16xf32>,
        %parallel_loop3A_253 = arith.constant 24 : i32
        %parallel_loop3A_254 = tpu.memref_slice %arg7[%parallel_loop3A_253] : memref<32xf32, #tpu.memory_space<vmem>> -> memref<8xf32, #tpu.memory_space<vmem>>
        %parallel_loop3A_255 = tpu.vector_load_idx %parallel_loop3A_254[%parallel_loop3A_219] : memref<8xf32, #tpu.memory_space<vmem>>[vector<16xi32>], vector<16xf32>,
        %parallel_loop3A_256 = arith.constant 0 : i32
        %parallel_loop3A_257 = arith.constant 3 : i32
        %parallel_loop3A_258 = arith.index_cast %parallel_loop3A_256 : i32 to index
        %parallel_loop3A_259 = arith.index_cast %parallel_loop3A_205 : i32 to index
        %parallel_loop3A_260 = arith.index_cast %parallel_loop3A_209 : i32 to index
        %parallel_loop3A_261 = arith.index_cast %parallel_loop3A_257 : i32 to index
        %parallel_loop3A_262 = arith.index_cast %parallel_loop3A_213 : i32 to index
        %parallel_loop3A_263 = tpu.vector_load %arg6[%parallel_loop3A_258, %parallel_loop3A_259, %parallel_loop3A_260, %parallel_loop3A_261, %parallel_loop3A_262] {strides = array<i32>} : memref<2x8x2x4x128xf32, #tpu.memory_space<vmem>>, vector<16xf32>,
        tpu.vector_store %arg6[%parallel_loop3A_258, %parallel_loop3A_259, %parallel_loop3A_260, %parallel_loop3A_261, %parallel_loop3A_262], %parallel_loop3A_255 {strides = array<i32>} : memref<2x8x2x4x128xf32, #tpu.memory_space<vmem>>, vector<16xf32>,
      } {sc.loop_unroll_factor = 32 : i64, sc.parallel_access}
      %mul3A_123 = arith.constant 8 : i32
      %mul3A_124 = arith.muli %scan3A_75, %mul3A_123 : i32
      %add3A_125 = arith.constant 0 : i32
      %add3A_126 = arith.addi %mul3A_2, %add3A_125 : i32
      %dma_start3A_127 = arith.constant 0 : i32
      %dma_start3A_128 = arith.constant 0 : i32
      %dma_start3A_129 = arith.constant 0 : i32
      %dma_start3A_130 = arith.constant 0 : i32
      %dma_start3A_131 = arith.constant 0 : i32
      %dma_start3A_132 = tpu.memref_slice %arg6[%dma_start3A_127, %dma_start3A_128, %dma_start3A_129, %dma_start3A_130, %dma_start3A_131] : memref<2x8x2x4x128xf32, #tpu.memory_space<vmem>> -> memref<1x8x2x4x128xf32, #tpu.memory_space<vmem>>
      %dma_start3A_133 = tpu.memref_squeeze %dma_start3A_132 : memref<1x8x2x4x128xf32, #tpu.memory_space<vmem>> -> memref<8x2x4x128xf32, #tpu.memory_space<vmem>>
      %dma_start3A_134 = arith.constant 0 : i32
      %dma_start3A_135 = arith.constant 0 : i32
      %dma_start3A_136 = tpu.memref_slice %arg4[%mul3A_124, %add3A_126, %dma_start3A_134, %dma_start3A_135] : memref<200x128x4x128xf32, #tpu.memory_space<hbm>> -> memref<8x2x4x128xf32, #tpu.memory_space<hbm>>
      %dma_start3A_137 = arith.constant 0 : i32
      %dma_start3A_138 = arith.constant 0 : i32
      %dma_start3A_139 = tpu.memref_slice %arg4[%mul3A_124, %add3A_126, %dma_start3A_137, %dma_start3A_138] : memref<200x128x4x128xf32, #tpu.memory_space<hbm>> -> memref<8x2x4x128xf32, #tpu.memory_space<hbm>>
      %dma_start3A_140 = arith.constant 0 : i32
      %dma_start3A_141 = arith.constant 0 : i32
      %dma_start3A_142 = arith.constant 0 : i32
      %dma_start3A_143 = arith.constant 0 : i32
      %dma_start3A_144 = tpu.memref_slice %arg6[%dma_start3A_127, %dma_start3A_140, %dma_start3A_141, %dma_start3A_142, %dma_start3A_143] : memref<2x8x2x4x128xf32, #tpu.memory_space<vmem>> -> memref<1x8x2x4x128xf32, #tpu.memory_space<vmem>>
      %dma_start3A_145 = tpu.memref_squeeze %dma_start3A_144 : memref<1x8x2x4x128xf32, #tpu.memory_space<vmem>> -> memref<8x2x4x128xf32, #tpu.memory_space<vmem>>
      tpu.enqueue_dma source(%dma_start3A_145 : memref<8x2x4x128xf32, #tpu.memory_space<vmem>>) target(%dma_start3A_139 : memref<8x2x4x128xf32, #tpu.memory_space<hbm>>) target_semaphore(%arg10 : memref<!tpu.dma_semaphore, #tpu.memory_space<semaphore_mem>>)
      %lt3A = arith.constant 24 : i32
      %lt3A_146 = arith.cmpi slt, %scan3A_75, %lt3A : i32
      %convert_element_type3A_147 = arith.extui %lt3A_146 : i1 to i32
      %cond3A_148 = arith.constant 0 : i32
      %cond3A_149 = arith.cmpi ne, %convert_element_type3A_147, %cond3A_148 : i32
      scf.if %cond3A_149 {
        %add3A_203 = arith.constant 1 : i32
        %add3A_204 = arith.addi %scan3A_75, %add3A_203 : i32
        %add3A_205 = arith.constant 0 : i32
        %add3A_206 = arith.addi %mul3A_2, %add3A_205 : i32
        %dma_start3A_207 = arith.constant 0 : i32
        %dma_start3A_208 = arith.constant 0 : i32
        %dma_start3A_209 = arith.constant 0 : i32
        %dma_start3A_210 = arith.constant 0 : i32
        %dma_start3A_211 = tpu.memref_slice %arg5[%dma_start3A_207, %dma_start3A_208, %dma_start3A_209, %dma_start3A_210] : memref<2x2x8x128xi32, #tpu.memory_space<vmem>> -> memref<1x2x8x128xi32, #tpu.memory_space<vmem>>
        %dma_start3A_212 = tpu.memref_squeeze %dma_start3A_211 : memref<1x2x8x128xi32, #tpu.memory_space<vmem>> -> memref<2x8x128xi32, #tpu.memory_space<vmem>>
        %dma_start3A_213 = arith.constant 0 : i32
        %dma_start3A_214 = arith.constant 0 : i32
        %dma_start3A_215 = tpu.memref_slice %arg2[%add3A_204, %add3A_206, %dma_start3A_213, %dma_start3A_214] : memref<25x128x8x128xi32, #tpu.memory_space<hbm>> -> memref<1x2x8x128xi32, #tpu.memory_space<hbm>>
        %dma_start3A_216 = tpu.memref_squeeze %dma_start3A_215 : memref<1x2x8x128xi32, #tpu.memory_space<hbm>> -> memref<2x8x128xi32, #tpu.memory_space<hbm>>
        %dma_start3A_217 = arith.constant 0 : i32
        %dma_start3A_218 = arith.constant 0 : i32
        %dma_start3A_219 = arith.constant 0 : i32
        %dma_start3A_220 = tpu.memref_slice %arg5[%dma_start3A_207, %dma_start3A_217, %dma_start3A_218, %dma_start3A_219] : memref<2x2x8x128xi32, #tpu.memory_space<vmem>> -> memref<1x2x8x128xi32, #tpu.memory_space<vmem>>
        %dma_start3A_221 = tpu.memref_squeeze %dma_start3A_220 : memref<1x2x8x128xi32, #tpu.memory_space<vmem>> -> memref<2x8x128xi32, #tpu.memory_space<vmem>>
        %dma_start3A_222 = arith.constant 0 : i32
        %dma_start3A_223 = arith.constant 0 : i32
        %dma_start3A_224 = tpu.memref_slice %arg2[%add3A_204, %add3A_206, %dma_start3A_222, %dma_start3A_223] : memref<25x128x8x128xi32, #tpu.memory_space<hbm>> -> memref<1x2x8x128xi32, #tpu.memory_space<hbm>>
        %dma_start3A_225 = tpu.memref_squeeze %dma_start3A_224 : memref<1x2x8x128xi32, #tpu.memory_space<hbm>> -> memref<2x8x128xi32, #tpu.memory_space<hbm>>
        tpu.enqueue_dma source(%dma_start3A_225 : memref<2x8x128xi32, #tpu.memory_space<hbm>>) target(%dma_start3A_221 : memref<2x8x128xi32, #tpu.memory_space<vmem>>) target_semaphore(%arg8 : memref<!tpu.dma_semaphore, #tpu.memory_space<semaphore_mem>>)
      } else {
      }
      %add3A_150 = arith.constant 2 : i32
      %add3A_151 = arith.addi %mul3A_2, %add3A_150 : i32
      %dma_wait3A_152 = arith.constant 1 : i32
      %dma_wait3A_153 = arith.constant 0 : i32
      %dma_wait3A_154 = arith.constant 0 : i32
      %dma_wait3A_155 = arith.constant 0 : i32
      %dma_wait3A_156 = tpu.memref_slice %arg5[%dma_wait3A_152, %dma_wait3A_153, %dma_wait3A_154, %dma_wait3A_155] : memref<2x2x8x128xi32, #tpu.memory_space<vmem>> -> memref<1x2x8x128xi32, #tpu.memory_space<vmem>>
      %dma_wait3A_157 = tpu.memref_squeeze %dma_wait3A_156 : memref<1x2x8x128xi32, #tpu.memory_space<vmem>> -> memref<2x8x128xi32, #tpu.memory_space<vmem>>
      %dma_wait3A_158 = arith.constant 0 : i32
      %dma_wait3A_159 = arith.constant 0 : i32
      %dma_wait3A_160 = tpu.memref_slice %arg2[%scan3A_75, %add3A_151, %dma_wait3A_158, %dma_wait3A_159] : memref<25x128x8x128xi32, #tpu.memory_space<hbm>> -> memref<1x2x8x128xi32, #tpu.memory_space<hbm>>
      %dma_wait3A_161 = tpu.memref_squeeze %dma_wait3A_160 : memref<1x2x8x128xi32, #tpu.memory_space<hbm>> -> memref<2x8x128xi32, #tpu.memory_space<hbm>>
      %dma_wait3A_162 = arith.constant 0 : i32
      %dma_wait3A_163 = arith.constant 0 : i32
      %dma_wait3A_164 = arith.constant 0 : i32
      %dma_wait3A_165 = tpu.memref_slice %arg5[%dma_wait3A_152, %dma_wait3A_162, %dma_wait3A_163, %dma_wait3A_164] : memref<2x2x8x128xi32, #tpu.memory_space<vmem>> -> memref<1x2x8x128xi32, #tpu.memory_space<vmem>>
      %dma_wait3A_166 = tpu.memref_squeeze %dma_wait3A_165 : memref<1x2x8x128xi32, #tpu.memory_space<vmem>> -> memref<2x8x128xi32, #tpu.memory_space<vmem>>
      %dma_wait3A_167 = arith.constant 0 : i32
      %dma_wait3A_168 = arith.constant 0 : i32
      %dma_wait3A_169 = tpu.memref_slice %arg2[%scan3A_75, %add3A_151, %dma_wait3A_167, %dma_wait3A_168] : memref<25x128x8x128xi32, #tpu.memory_space<hbm>> -> memref<1x2x8x128xi32, #tpu.memory_space<hbm>>
      %dma_wait3A_170 = tpu.memref_squeeze %dma_wait3A_169 : memref<1x2x8x128xi32, #tpu.memory_space<hbm>> -> memref<2x8x128xi32, #tpu.memory_space<hbm>>
      tpu.wait_dma2 semaphore(%arg9 : memref<!tpu.dma_semaphore, #tpu.memory_space<semaphore_mem>>) src(%dma_wait3A_170 : memref<2x8x128xi32, #tpu.memory_space<hbm>>) dst(%dma_wait3A_166 : memref<2x8x128xi32, #tpu.memory_space<vmem>>)
      %ge3A_171 = arith.constant 1 : i32
      %ge3A_172 = arith.cmpi sge, %scan3A_75, %ge3A_171 : i32
      %convert_element_type3A_173 = arith.extui %ge3A_172 : i1 to i32
      %cond3A_174 = arith.constant 0 : i32
      %cond3A_175 = arith.cmpi ne, %convert_element_type3A_173, %cond3A_174 : i32
      scf.if %cond3A_175 {
        %mul3A_203 = arith.constant 8 : i32
        %mul3A_204 = arith.muli %scan3A_75, %mul3A_203 : i32
        %add3A_205 = arith.constant 2 : i32
        %add3A_206 = arith.addi %mul3A_2, %add3A_205 : i32
        %dma_wait3A_207 = arith.constant 1 : i32
        %dma_wait3A_208 = arith.constant 0 : i32
        %dma_wait3A_209 = arith.constant 0 : i32
        %dma_wait3A_210 = arith.constant 0 : i32
        %dma_wait3A_211 = arith.constant 0 : i32
        %dma_wait3A_212 = tpu.memref_slice %arg6[%dma_wait3A_207, %dma_wait3A_208, %dma_wait3A_209, %dma_wait3A_210, %dma_wait3A_211] : memref<2x8x2x4x128xf32, #tpu.memory_space<vmem>> -> memref<1x8x2x4x128xf32, #tpu.memory_space<vmem>>
        %dma_wait3A_213 = tpu.memref_squeeze %dma_wait3A_212 : memref<1x8x2x4x128xf32, #tpu.memory_space<vmem>> -> memref<8x2x4x128xf32, #tpu.memory_space<vmem>>
        %dma_wait3A_214 = arith.constant 0 : i32
        %dma_wait3A_215 = arith.constant 0 : i32
        %dma_wait3A_216 = tpu.memref_slice %arg4[%mul3A_204, %add3A_206, %dma_wait3A_214, %dma_wait3A_215] : memref<200x128x4x128xf32, #tpu.memory_space<hbm>> -> memref<8x2x4x128xf32, #tpu.memory_space<hbm>>
        %dma_wait3A_217 = arith.constant 0 : i32
        %dma_wait3A_218 = arith.constant 0 : i32
        %dma_wait3A_219 = tpu.memref_slice %arg4[%mul3A_204, %add3A_206, %dma_wait3A_217, %dma_wait3A_218] : memref<200x128x4x128xf32, #tpu.memory_space<hbm>> -> memref<8x2x4x128xf32, #tpu.memory_space<hbm>>
        %dma_wait3A_220 = arith.constant 0 : i32
        %dma_wait3A_221 = arith.constant 0 : i32
        %dma_wait3A_222 = arith.constant 0 : i32
        %dma_wait3A_223 = arith.constant 0 : i32
        %dma_wait3A_224 = tpu.memref_slice %arg6[%dma_wait3A_207, %dma_wait3A_220, %dma_wait3A_221, %dma_wait3A_222, %dma_wait3A_223] : memref<2x8x2x4x128xf32, #tpu.memory_space<vmem>> -> memref<1x8x2x4x128xf32, #tpu.memory_space<vmem>>
        %dma_wait3A_225 = tpu.memref_squeeze %dma_wait3A_224 : memref<1x8x2x4x128xf32, #tpu.memory_space<vmem>> -> memref<8x2x4x128xf32, #tpu.memory_space<vmem>>
        tpu.wait_dma2 semaphore(%arg11 : memref<!tpu.dma_semaphore, #tpu.memory_space<semaphore_mem>>) src(%dma_wait3A_225 : memref<8x2x4x128xf32, #tpu.memory_space<vmem>>) dst(%dma_wait3A_219 : memref<8x2x4x128xf32, #tpu.memory_space<hbm>>)
      } else {
      }
      %parallel_loop3A_176 = arith.constant 0 : i32
      %parallel_loop3A_177 = arith.constant 128 : i32
      %parallel_loop3A_178 = arith.constant 1 : i32
      scf.for %parallel_loop3A_203 = %parallel_loop3A_176 to %parallel_loop3A_177 step %parallel_loop3A_178  : i32 {
        %parallel_loop3A_204 = arith.constant 4 : i32
        %parallel_loop3A_205 = arith.shrui %parallel_loop3A_203, %parallel_loop3A_204 : i32
        %parallel_loop3A_206 = arith.constant 3 : i32
        %parallel_loop3A_207 = arith.shrui %parallel_loop3A_203, %parallel_loop3A_206 : i32
        %parallel_loop3A_208 = arith.constant 1 : i32
        %parallel_loop3A_209 = arith.andi %parallel_loop3A_207, %parallel_loop3A_208 : i32
        %parallel_loop3A_210 = arith.constant 7 : i32
        %parallel_loop3A_211 = arith.andi %parallel_loop3A_203, %parallel_loop3A_210 : i32
        %parallel_loop3A_212 = arith.constant 16 : i32
        %parallel_loop3A_213 = arith.muli %parallel_loop3A_211, %parallel_loop3A_212 : i32
        %parallel_loop3A_214 = arith.constant 1 : i32
        %parallel_loop3A_215 = arith.index_cast %parallel_loop3A_214 : i32 to index
        %parallel_loop3A_216 = arith.index_cast %parallel_loop3A_209 : i32 to index
        %parallel_loop3A_217 = arith.index_cast %parallel_loop3A_205 : i32 to index
        %parallel_loop3A_218 = arith.index_cast %parallel_loop3A_213 : i32 to index
        %parallel_loop3A_219 = tpu.vector_load %arg5[%parallel_loop3A_215, %parallel_loop3A_216, %parallel_loop3A_217, %parallel_loop3A_218] {strides = array<i32>} : memref<2x2x8x128xi32, #tpu.memory_space<vmem>>, vector<16xi32>,
        %parallel_loop3A_220 = arith.constant 0 : i32
        %parallel_loop3A_221 = tpu.memref_slice %arg7[%parallel_loop3A_220] : memref<32xf32, #tpu.memory_space<vmem>> -> memref<8xf32, #tpu.memory_space<vmem>>
        %parallel_loop3A_222 = tpu.vector_load_idx %parallel_loop3A_221[%parallel_loop3A_219] : memref<8xf32, #tpu.memory_space<vmem>>[vector<16xi32>], vector<16xf32>,
        %parallel_loop3A_223 = arith.constant 1 : i32
        %parallel_loop3A_224 = arith.constant 0 : i32
        %parallel_loop3A_225 = arith.index_cast %parallel_loop3A_223 : i32 to index
        %parallel_loop3A_226 = arith.index_cast %parallel_loop3A_205 : i32 to index
        %parallel_loop3A_227 = arith.index_cast %parallel_loop3A_209 : i32 to index
        %parallel_loop3A_228 = arith.index_cast %parallel_loop3A_224 : i32 to index
        %parallel_loop3A_229 = arith.index_cast %parallel_loop3A_213 : i32 to index
        %parallel_loop3A_230 = tpu.vector_load %arg6[%parallel_loop3A_225, %parallel_loop3A_226, %parallel_loop3A_227, %parallel_loop3A_228, %parallel_loop3A_229] {strides = array<i32>} : memref<2x8x2x4x128xf32, #tpu.memory_space<vmem>>, vector<16xf32>,
        tpu.vector_store %arg6[%parallel_loop3A_225, %parallel_loop3A_226, %parallel_loop3A_227, %parallel_loop3A_228, %parallel_loop3A_229], %parallel_loop3A_222 {strides = array<i32>} : memref<2x8x2x4x128xf32, #tpu.memory_space<vmem>>, vector<16xf32>,
        %parallel_loop3A_231 = arith.constant 8 : i32
        %parallel_loop3A_232 = tpu.memref_slice %arg7[%parallel_loop3A_231] : memref<32xf32, #tpu.memory_space<vmem>> -> memref<8xf32, #tpu.memory_space<vmem>>
        %parallel_loop3A_233 = tpu.vector_load_idx %parallel_loop3A_232[%parallel_loop3A_219] : memref<8xf32, #tpu.memory_space<vmem>>[vector<16xi32>], vector<16xf32>,
        %parallel_loop3A_234 = arith.constant 1 : i32
        %parallel_loop3A_235 = arith.constant 1 : i32
        %parallel_loop3A_236 = arith.index_cast %parallel_loop3A_234 : i32 to index
        %parallel_loop3A_237 = arith.index_cast %parallel_loop3A_205 : i32 to index
        %parallel_loop3A_238 = arith.index_cast %parallel_loop3A_209 : i32 to index
        %parallel_loop3A_239 = arith.index_cast %parallel_loop3A_235 : i32 to index
        %parallel_loop3A_240 = arith.index_cast %parallel_loop3A_213 : i32 to index
        %parallel_loop3A_241 = tpu.vector_load %arg6[%parallel_loop3A_236, %parallel_loop3A_237, %parallel_loop3A_238, %parallel_loop3A_239, %parallel_loop3A_240] {strides = array<i32>} : memref<2x8x2x4x128xf32, #tpu.memory_space<vmem>>, vector<16xf32>,
        tpu.vector_store %arg6[%parallel_loop3A_236, %parallel_loop3A_237, %parallel_loop3A_238, %parallel_loop3A_239, %parallel_loop3A_240], %parallel_loop3A_233 {strides = array<i32>} : memref<2x8x2x4x128xf32, #tpu.memory_space<vmem>>, vector<16xf32>,
        %parallel_loop3A_242 = arith.constant 16 : i32
        %parallel_loop3A_243 = tpu.memref_slice %arg7[%parallel_loop3A_242] : memref<32xf32, #tpu.memory_space<vmem>> -> memref<8xf32, #tpu.memory_space<vmem>>
        %parallel_loop3A_244 = tpu.vector_load_idx %parallel_loop3A_243[%parallel_loop3A_219] : memref<8xf32, #tpu.memory_space<vmem>>[vector<16xi32>], vector<16xf32>,
        %parallel_loop3A_245 = arith.constant 1 : i32
        %parallel_loop3A_246 = arith.constant 2 : i32
        %parallel_loop3A_247 = arith.index_cast %parallel_loop3A_245 : i32 to index
        %parallel_loop3A_248 = arith.index_cast %parallel_loop3A_205 : i32 to index
        %parallel_loop3A_249 = arith.index_cast %parallel_loop3A_209 : i32 to index
        %parallel_loop3A_250 = arith.index_cast %parallel_loop3A_246 : i32 to index
        %parallel_loop3A_251 = arith.index_cast %parallel_loop3A_213 : i32 to index
        %parallel_loop3A_252 = tpu.vector_load %arg6[%parallel_loop3A_247, %parallel_loop3A_248, %parallel_loop3A_249, %parallel_loop3A_250, %parallel_loop3A_251] {strides = array<i32>} : memref<2x8x2x4x128xf32, #tpu.memory_space<vmem>>, vector<16xf32>,
        tpu.vector_store %arg6[%parallel_loop3A_247, %parallel_loop3A_248, %parallel_loop3A_249, %parallel_loop3A_250, %parallel_loop3A_251], %parallel_loop3A_244 {strides = array<i32>} : memref<2x8x2x4x128xf32, #tpu.memory_space<vmem>>, vector<16xf32>,
        %parallel_loop3A_253 = arith.constant 24 : i32
        %parallel_loop3A_254 = tpu.memref_slice %arg7[%parallel_loop3A_253] : memref<32xf32, #tpu.memory_space<vmem>> -> memref<8xf32, #tpu.memory_space<vmem>>
        %parallel_loop3A_255 = tpu.vector_load_idx %parallel_loop3A_254[%parallel_loop3A_219] : memref<8xf32, #tpu.memory_space<vmem>>[vector<16xi32>], vector<16xf32>,
        %parallel_loop3A_256 = arith.constant 1 : i32
        %parallel_loop3A_257 = arith.constant 3 : i32
        %parallel_loop3A_258 = arith.index_cast %parallel_loop3A_256 : i32 to index
        %parallel_loop3A_259 = arith.index_cast %parallel_loop3A_205 : i32 to index
        %parallel_loop3A_260 = arith.index_cast %parallel_loop3A_209 : i32 to index
        %parallel_loop3A_261 = arith.index_cast %parallel_loop3A_257 : i32 to index
        %parallel_loop3A_262 = arith.index_cast %parallel_loop3A_213 : i32 to index
        %parallel_loop3A_263 = tpu.vector_load %arg6[%parallel_loop3A_258, %parallel_loop3A_259, %parallel_loop3A_260, %parallel_loop3A_261, %parallel_loop3A_262] {strides = array<i32>} : memref<2x8x2x4x128xf32, #tpu.memory_space<vmem>>, vector<16xf32>,
        tpu.vector_store %arg6[%parallel_loop3A_258, %parallel_loop3A_259, %parallel_loop3A_260, %parallel_loop3A_261, %parallel_loop3A_262], %parallel_loop3A_255 {strides = array<i32>} : memref<2x8x2x4x128xf32, #tpu.memory_space<vmem>>, vector<16xf32>,
      } {sc.loop_unroll_factor = 32 : i64, sc.parallel_access}
      %mul3A_179 = arith.constant 8 : i32
      %mul3A_180 = arith.muli %scan3A_75, %mul3A_179 : i32
      %add3A_181 = arith.constant 2 : i32
      %add3A_182 = arith.addi %mul3A_2, %add3A_181 : i32
      %dma_start3A_183 = arith.constant 1 : i32
      %dma_start3A_184 = arith.constant 0 : i32
      %dma_start3A_185 = arith.constant 0 : i32
      %dma_start3A_186 = arith.constant 0 : i32
      %dma_start3A_187 = arith.constant 0 : i32
      %dma_start3A_188 = tpu.memref_slice %arg6[%dma_start3A_183, %dma_start3A_184, %dma_start3A_185, %dma_start3A_186, %dma_start3A_187] : memref<2x8x2x4x128xf32, #tpu.memory_space<vmem>> -> memref<1x8x2x4x128xf32, #tpu.memory_space<vmem>>
      %dma_start3A_189 = tpu.memref_squeeze %dma_start3A_188 : memref<1x8x2x4x128xf32, #tpu.memory_space<vmem>> -> memref<8x2x4x128xf32, #tpu.memory_space<vmem>>
      %dma_start3A_190 = arith.constant 0 : i32
      %dma_start3A_191 = arith.constant 0 : i32
      %dma_start3A_192 = tpu.memref_slice %arg4[%mul3A_180, %add3A_182, %dma_start3A_190, %dma_start3A_191] : memref<200x128x4x128xf32, #tpu.memory_space<hbm>> -> memref<8x2x4x128xf32, #tpu.memory_space<hbm>>
      %dma_start3A_193 = arith.constant 0 : i32
      %dma_start3A_194 = arith.constant 0 : i32
      %dma_start3A_195 = tpu.memref_slice %arg4[%mul3A_180, %add3A_182, %dma_start3A_193, %dma_start3A_194] : memref<200x128x4x128xf32, #tpu.memory_space<hbm>> -> memref<8x2x4x128xf32, #tpu.memory_space<hbm>>
      %dma_start3A_196 = arith.constant 0 : i32
      %dma_start3A_197 = arith.constant 0 : i32
      %dma_start3A_198 = arith.constant 0 : i32
      %dma_start3A_199 = arith.constant 0 : i32
      %dma_start3A_200 = tpu.memref_slice %arg6[%dma_start3A_183, %dma_start3A_196, %dma_start3A_197, %dma_start3A_198, %dma_start3A_199] : memref<2x8x2x4x128xf32, #tpu.memory_space<vmem>> -> memref<1x8x2x4x128xf32, #tpu.memory_space<vmem>>
      %dma_start3A_201 = tpu.memref_squeeze %dma_start3A_200 : memref<1x8x2x4x128xf32, #tpu.memory_space<vmem>> -> memref<8x2x4x128xf32, #tpu.memory_space<vmem>>
      tpu.enqueue_dma source(%dma_start3A_201 : memref<8x2x4x128xf32, #tpu.memory_space<vmem>>) target(%dma_start3A_195 : memref<8x2x4x128xf32, #tpu.memory_space<hbm>>) target_semaphore(%arg11 : memref<!tpu.dma_semaphore, #tpu.memory_space<semaphore_mem>>)
      %scan3A_202 = arith.constant 0 : i32
      scf.yield %scan3A_202 : i32
    }
    %scan3A_29 = arith.constant 25 : i32
    %add3A_30 = arith.constant 0 : i32
    %add3A_31 = arith.addi %mul3A_2, %add3A_30 : i32
    %dma_wait3A = arith.constant 0 : i32
    %dma_wait3A_32 = arith.constant 0 : i32
    %dma_wait3A_33 = arith.constant 0 : i32
    %dma_wait3A_34 = arith.constant 0 : i32
    %dma_wait3A_35 = arith.constant 0 : i32
    %dma_wait3A_36 = tpu.memref_slice %arg6[%dma_wait3A, %dma_wait3A_32, %dma_wait3A_33, %dma_wait3A_34, %dma_wait3A_35] : memref<2x8x2x4x128xf32, #tpu.memory_space<vmem>> -> memref<1x8x2x4x128xf32, #tpu.memory_space<vmem>>
    %dma_wait3A_37 = tpu.memref_squeeze %dma_wait3A_36 : memref<1x8x2x4x128xf32, #tpu.memory_space<vmem>> -> memref<8x2x4x128xf32, #tpu.memory_space<vmem>>
    %dma_wait3A_38 = arith.constant 192 : i32
    %dma_wait3A_39 = arith.constant 0 : i32
    %dma_wait3A_40 = arith.constant 0 : i32
    %dma_wait3A_41 = tpu.memref_slice %arg4[%dma_wait3A_38, %add3A_31, %dma_wait3A_39, %dma_wait3A_40] : memref<200x128x4x128xf32, #tpu.memory_space<hbm>> -> memref<8x2x4x128xf32, #tpu.memory_space<hbm>>
    %dma_wait3A_42 = arith.constant 192 : i32
    %dma_wait3A_43 = arith.constant 0 : i32
    %dma_wait3A_44 = arith.constant 0 : i32
    %dma_wait3A_45 = tpu.memref_slice %arg4[%dma_wait3A_42, %add3A_31, %dma_wait3A_43, %dma_wait3A_44] : memref<200x128x4x128xf32, #tpu.memory_space<hbm>> -> memref<8x2x4x128xf32, #tpu.memory_space<hbm>>
    %dma_wait3A_46 = arith.constant 0 : i32
    %dma_wait3A_47 = arith.constant 0 : i32
    %dma_wait3A_48 = arith.constant 0 : i32
    %dma_wait3A_49 = arith.constant 0 : i32
    %dma_wait3A_50 = tpu.memref_slice %arg6[%dma_wait3A, %dma_wait3A_46, %dma_wait3A_47, %dma_wait3A_48, %dma_wait3A_49] : memref<2x8x2x4x128xf32, #tpu.memory_space<vmem>> -> memref<1x8x2x4x128xf32, #tpu.memory_space<vmem>>
    %dma_wait3A_51 = tpu.memref_squeeze %dma_wait3A_50 : memref<1x8x2x4x128xf32, #tpu.memory_space<vmem>> -> memref<8x2x4x128xf32, #tpu.memory_space<vmem>>
    tpu.wait_dma2 semaphore(%arg10 : memref<!tpu.dma_semaphore, #tpu.memory_space<semaphore_mem>>) src(%dma_wait3A_51 : memref<8x2x4x128xf32, #tpu.memory_space<vmem>>) dst(%dma_wait3A_45 : memref<8x2x4x128xf32, #tpu.memory_space<hbm>>)
    %add3A_52 = arith.constant 2 : i32
    %add3A_53 = arith.addi %mul3A_2, %add3A_52 : i32
    %dma_wait3A_54 = arith.constant 1 : i32
    %dma_wait3A_55 = arith.constant 0 : i32
    %dma_wait3A_56 = arith.constant 0 : i32
    %dma_wait3A_57 = arith.constant 0 : i32
    %dma_wait3A_58 = arith.constant 0 : i32
    %dma_wait3A_59 = tpu.memref_slice %arg6[%dma_wait3A_54, %dma_wait3A_55, %dma_wait3A_56, %dma_wait3A_57, %dma_wait3A_58] : memref<2x8x2x4x128xf32, #tpu.memory_space<vmem>> -> memref<1x8x2x4x128xf32, #tpu.memory_space<vmem>>
    %dma_wait3A_60 = tpu.memref_squeeze %dma_wait3A_59 : memref<1x8x2x4x128xf32, #tpu.memory_space<vmem>> -> memref<8x2x4x128xf32, #tpu.memory_space<vmem>>
    %dma_wait3A_61 = arith.constant 192 : i32
    %dma_wait3A_62 = arith.constant 0 : i32
    %dma_wait3A_63 = arith.constant 0 : i32
    %dma_wait3A_64 = tpu.memref_slice %arg4[%dma_wait3A_61, %add3A_53, %dma_wait3A_62, %dma_wait3A_63] : memref<200x128x4x128xf32, #tpu.memory_space<hbm>> -> memref<8x2x4x128xf32, #tpu.memory_space<hbm>>
    %dma_wait3A_65 = arith.constant 192 : i32
    %dma_wait3A_66 = arith.constant 0 : i32
    %dma_wait3A_67 = arith.constant 0 : i32
    %dma_wait3A_68 = tpu.memref_slice %arg4[%dma_wait3A_65, %add3A_53, %dma_wait3A_66, %dma_wait3A_67] : memref<200x128x4x128xf32, #tpu.memory_space<hbm>> -> memref<8x2x4x128xf32, #tpu.memory_space<hbm>>
    %dma_wait3A_69 = arith.constant 0 : i32
    %dma_wait3A_70 = arith.constant 0 : i32
    %dma_wait3A_71 = arith.constant 0 : i32
    %dma_wait3A_72 = arith.constant 0 : i32
    %dma_wait3A_73 = tpu.memref_slice %arg6[%dma_wait3A_54, %dma_wait3A_69, %dma_wait3A_70, %dma_wait3A_71, %dma_wait3A_72] : memref<2x8x2x4x128xf32, #tpu.memory_space<vmem>> -> memref<1x8x2x4x128xf32, #tpu.memory_space<vmem>>
    %dma_wait3A_74 = tpu.memref_squeeze %dma_wait3A_73 : memref<1x8x2x4x128xf32, #tpu.memory_space<vmem>> -> memref<8x2x4x128xf32, #tpu.memory_space<vmem>>
    tpu.wait_dma2 semaphore(%arg11 : memref<!tpu.dma_semaphore, #tpu.memory_space<semaphore_mem>>) src(%dma_wait3A_74 : memref<8x2x4x128xf32, #tpu.memory_space<vmem>>) dst(%dma_wait3A_68 : memref<8x2x4x128xf32, #tpu.memory_space<hbm>>)
    return
  }
}

</mosaic_0001>

<sc_bundles>
// kernel: kernel.3.cloned.1.call-start
scs
__scs_entry_jumppad:
0x0: {  	(pc) =	sbr.rel $0x88, $3  }
0x1: {  	(tag) =	ssettag $0x0;
	lr =	simm.s32 $0x1  }
0x2: {  	[smem:$0x3F9F] =	sst lr;
	_ =	strace $0xD0000000  }
0x3: {  	_ = 	snop  }
0x4: {  	_ = 	snop  }
0x5: {  	_ = 	snop  }
0x6: {  	_ = 	snop  }
0x7: {  	_ = 	snop  }
__scs_overlays_trampoline_lowered:
0x8: {  	[smem:$0x3FAE] =	sst s0  }
0x9: {  	[smem:$0x3FAF] =	sst s1  }
0xa: {  	[smem:$0x3FB0] =	sst s2  }
0xb: {  	[smem:$0x3FB1] =	sst s3  }
0xc: {  	[smem:$0x3FB2] =	sst s4  }
0xd: {  	[smem:$0x3FB3] =	sst s5  }
0xe: {  	[smem:$0x3FB4] =	sst s6  }
0xf: {  	[smem:$0x3FB5] =	sst s7  }
0x10: {  	[smem:$0x3FB6] =	sst s8  }
0x11: {  	[smem:$0x3FB7] =	sst s9;
	s0 =	simm.s32 @!p0 $0x0  }
0x12: {  	s1 =	sld [smem:$0x3F9D];
	s0 =	simm.s32 @p0 $0x1  }
0x13: {  	[smem:$0x3FB8] =	sst s0;
	s0 =	simm.s32 @!p1 $0x0  }
0x14: {  	s2 =	sld [smem:$0x3F9C];
	s0 =	simm.s32 @p1 $0x1  }
0x15: {  	[smem:$0x3FB9] =	sst s0;
	s0 =	simm.s32 @!p2 $0x0  }
0x16: {  	s3 =	sld [smem:$0x3FDB];
	s0 =	simm.s32 @p2 $0x1  }
0x17: {  	s4 =	simm.s32 $0x1BF5;
	[smem:$0x3FBB] =	sst s0  }
0x18: {  	s0 =	sld [smem:$0x3F9E];
	_ =	swait.ge [sflag:s4], $0x0  }
0x19: {  	s7 =	sld [smem:$0x3F9F]  }
0x1a: {  	s8 =	sadd.s32 $0xFFFFE003, lr  }
0x1b: {  	s9 =	sadd.s32 $0xFFFFFEF7, lr;
	s5 =	simm.s32 $0xFFFFFFFF;
	p2 =	slt.u32 s8, $0xFFFFF086  }
0x1c: {  	p1 =	slt.u32 s9, $0xF7A;
	s5 =	simm.s32 @!p2 $0x0  }
0x1d: {  	s5 =	simm.s32 @p1 $0x1;
	p0 =	seq.s32 s7, s2  }
0x1e: {  	s7 =	smul.u32 @!p0 $0xF7A, s2;
	p2 =	seq.s32 @!p0 s5, $0x0  }
0x1f: {  	s9 =	smul.u32 $0xF7A, s1;
	s8 =	simm.s32 @!p0 $0x1BF5;
	p2 =	por !p2, p0  }
0x20: {  	[sflag:s8] =	ssyncset.s32 @!p0 $0xFFFFF086;
	s6 =	sadd.s32 @!p0 s3, s7;
	s7 =	simm.s32 @!p0 $0x108  }
0x21: {  	s3 =	sadd.s32 s3, s9;
	s6 =	sadd.s32 @!p0 $0x88, s6;
	s7 =	simm.s32 @p2 $0x1082  }
0x22: {  	[simem:s7], [sflag:s8] =	dma.local @!p0 [hbm:s6], $0xF7A  }
0x23: {  	s9 =	sor.u32 $0xD0000000, s2;
	s6 =	simm.s32 $0x108;
	_ =	swait.ge @!p0 [sflag:s8], $0x0  }
0x24: {  	s3 =	sadd.s32 $0x88, s3;
	s6 =	simm.s32 @!p1 $0x1082;
	[sflag:s4] =	ssyncset.s32 $0xFFFFF086  }
0x25: {  	[simem:s6], [sflag:s4] =	dma.local [hbm:s3], $0xF7A  }
0x26: {  	[smem:$0x3F9F] =	sst s1;
	(tag) =	ssettag s2;
	_ =	strace s9  }
0x27: {  	s1 =	sld [smem:$0x3FAF]  }
0x28: {  	s2 =	sld [smem:$0x3FB0]  }
0x29: {  	s4 =	sld [smem:$0x3FB2]  }
0x2a: {  	p0 =	seq.s32 s5, $0x0;
	s5 =	sld [smem:$0x3FB3]  }
0x2b: {  	s6 =	sld [smem:$0x3FB4]  }
0x2c: {  	s7 =	sld [smem:$0x3FB5]  }
0x2d: {  	s3 =	simm.s32 $0x108;
	s8 =	sld [smem:$0x3FB6]  }
0x2e: {  	s3 =	simm.s32 @!p0 $0x1082;
	s9 =	sld [smem:$0x3FB7]  }
0x2f: {  	lr =	sadd.s32 s0, s3;
	s0 =	sld [smem:$0x3FAE]  }
0x30: {  	s3 =	sld [smem:$0x3FB1]  }
0x31: {  	[smem:$0x3FBA] =	sst s10  }
0x32: {  	s10 =	sld [smem:$0x3FB8];
	_ =	sdelay $0x3  }
0x33: {  	p0 =	seq.s32 s10, $0x1;
	s10 =	sld [smem:$0x3FBA];
	_ =	sdelay $0x3  }
0x34: {  	[smem:$0x3FBA] =	sst s10  }
0x35: {  	s10 =	sld [smem:$0x3FB9];
	_ =	sdelay $0x3  }
0x36: {  	p1 =	seq.s32 s10, $0x1;
	s10 =	sld [smem:$0x3FBA];
	_ =	sdelay $0x3  }
0x37: {  	[smem:$0x3FBA] =	sst s10  }
0x38: {  	s10 =	sld [smem:$0x3FBB]  }
0x39: {  	_ = 	snop;
	(pc) =	sbr.ind lr, $3  }
0x3a: {  	_ = 	snop  }
0x3b: {  	_ = 	snop  }
0x3c: {  	p2 =	seq.s32 s10, $0x1;
	s10 =	sld [smem:$0x3FBA]  }
0x3d: {  	_ =	shalt  }
0x3e: {  	_ =	shalt  }
0x3f: {  	_ =	shalt  }
0x40: {  	_ =	shalt  }
0x41: {  	_ =	shalt  }
0x42: {  	_ =	shalt  }
0x43: {  	_ =	shalt  }
0x44: {  	_ =	shalt  }
0x45: {  	_ =	shalt  }
0x46: {  	_ =	shalt  }
0x47: {  	_ =	shalt  }
0x48: {  	_ =	shalt  }
0x49: {  	_ =	shalt  }
0x4a: {  	_ =	shalt  }
0x4b: {  	_ =	shalt  }
0x4c: {  	_ =	shalt  }
0x4d: {  	_ =	shalt  }
0x4e: {  	_ =	shalt  }
0x4f: {  	_ =	shalt  }
0x50: {  	_ =	shalt  }
0x51: {  	_ =	shalt  }
0x52: {  	_ =	shalt  }
0x53: {  	_ =	shalt  }
0x54: {  	_ =	shalt  }
0x55: {  	_ =	shalt  }
0x56: {  	_ =	shalt  }
0x57: {  	_ =	shalt  }
0x58: {  	_ =	shalt  }
0x59: {  	_ =	shalt  }
0x5a: {  	_ =	shalt  }
0x5b: {  	_ =	shalt  }
0x5c: {  	_ =	shalt  }
0x5d: {  	_ =	shalt  }
0x5e: {  	_ =	shalt  }
0x5f: {  	_ =	shalt  }
0x60: {  	_ =	shalt  }
0x61: {  	_ =	shalt  }
0x62: {  	_ =	shalt  }
0x63: {  	_ =	shalt  }
0x64: {  	_ =	shalt  }
0x65: {  	_ =	shalt  }
0x66: {  	_ =	shalt  }
0x67: {  	_ =	shalt  }
0x68: {  	_ =	shalt  }
0x69: {  	_ =	shalt  }
0x6a: {  	_ =	shalt  }
0x6b: {  	_ =	shalt  }
0x6c: {  	_ =	shalt  }
0x6d: {  	_ =	shalt  }
0x6e: {  	_ =	shalt  }
0x6f: {  	_ =	shalt  }
0x70: {  	_ =	shalt  }
0x71: {  	_ =	shalt  }
0x72: {  	_ =	shalt  }
0x73: {  	_ =	shalt  }
0x74: {  	_ =	shalt  }
0x75: {  	_ =	shalt  }
0x76: {  	_ =	shalt  }
0x77: {  	_ =	shalt  }
0x78: {  	_ =	shalt  }
0x79: {  	_ =	shalt  }
0x7a: {  	_ =	shalt  }
0x7b: {  	_ =	shalt  }
0x7c: {  	_ =	shalt  }
0x7d: {  	_ =	shalt  }
0x7e: {  	_ =	shalt  }
0x7f: {  	_ =	shalt  }
0x80: {  	_ =	shalt  }
0x81: {  	_ =	shalt  }
0x82: {  	_ =	shalt  }
0x83: {  	_ =	shalt  }
0x84: {  	_ =	shalt  }
0x85: {  	_ =	shalt  }
0x86: {  	_ =	shalt  }
0x87: {  	_ =	shalt  }
.Lfunc_end0:
.L_simem_size_0:
called_computation_lowered:
.L_overlay_start_0:
0x88: {  	s2 =	sld [smem:$0x3FD9]  }
0x89: {  	s3 =	sld [smem:$0x3FFE];
	_ =	sdelay $0x1  }
0x8a: {  	s1 =	srdreg.scid  }
0x8b: {  	s0 =	sand.u32 $0x1, s1  }
0x8c: {  	s17 =	sshll.u32 s0, $0xA;
	s2 =	sadd.s32 s3, s2  }
0x8d: {  	s2 =	sadd.s32 s2, s17  }
0x8e: {  	[smem:$0x3FC6] =	sst s2  }
0x8f: {  	_ = 	snop  }
0x90: {  	s2 =	sld [smem:$0x3FC9]  }
0x91: {  	s18 =	sld [smem:$0x3FD0];
	(tm) =	ssettm $0x1  }
0x92: {  	s4 =	sld [smem:$0x3FFB];
	_ =	sdelay $0x3  }
0x93: {  	_ =	strace s4  }
0x94: {  	s4 =	sld [smem:$0x3FFC];
	_ =	sdelay $0x3  }
0x95: {  	_ =	strace s4  }
0x96: {  	s4 =	sld [smem:$0x3FFD];
	_ =	sdelay $0x3  }
0x97: {  	_ =	strace s4  }
0x98: {  	_ =	strace $0x8FFFFFFF  }
0x99: {  	s19 =	sld [smem:$0x3FDB];
	_ =	sdelay $0x1  }
0x9a: {  	s5 =	simm.s32 $_scs_section_size  }
0x9b: {  	s6 =	simm.s32 $_size__tile_overlayer_lowered;
	s7 =	simm.s32 $_tile_overlayer_lowered  }
0x9c: {  	s22 =	simm.s32 $0x1BFF;
	s21 =	sshll.u32 s7, $0x1;
	s4 =	sadd.s32 s5, s19  }
0x9d: {  	s8 =	simm.s32 $0x0;
	s20 =	sshll.u32 s6, $0x1;
	s6 =	sadd.s32 s21, s4  }
0x9e: {  	[timem:s8], [sflag:s22] =	dma.local [hbm:s6], s20  }
0x9f: {  	_ =	swait.ge [sflag:s22], s20  }
0xa0: {  	s5 =	ssub.s32 $0x0, s20;
	[sflag:s22] =	ssyncset.done $0x0  }
0xa1: {  	[sflag:s22] =	ssyncadd.s32 s5;
	_ =	sdelay $0x1  }
0xa2: {  	s23 =	simm.s32 $0x1B8B  }
0xa3: {  	_ =	swait.ge [sflag:s23], $0x1  }
0xa4: {  	[sflag:s23] =	ssyncset.done $0x0  }
0xa5: {  	s25 =	simm.s32 $0x1B8E;
	s24 =	sld [smem:$0x3FFE];
	[sflag:s23] =	ssyncadd.s32 $0xFFFFFFFF  }
0xa6: {  	s26 =	simm.s32 $execute0_lowered;
	[smem:$0x3FD2] =	sst s25  }
0xa7: {  	s6 =	sshll.u32 s26, $0x1;
	_ =	strace $0x80000046;
	[dreg:$0x1] =	wrdreg $0xFFFFFFFF  }
0xa8: {  	s28 =	simm.s32 $_size_execute0_lowered;
	s4 =	sadd.s32 s4, s6;
	[dreg:$0x0] =	wrdreg $0x0  }
0xa9: {  	s6 =	sshll.u32 s28, $0x1;
	[dreg:$0x2] =	wrdreg s4  }
0xaa: {  	[dreg:$0x3] =	wrdreg s6  }
0xab: {  	[dreg:$0x4] =	wrdreg $0xC0  }
0xac: {  	_ =	task [dreg:s8], $0x5FFFF  }
0xad: {  	[dreg:$0x1] =	wrdreg $0xFFFFFFFF  }
0xae: {  	[dreg:$0x0] =	wrdreg $0x60  }
0xaf: {  	[dreg:$0x2] =	wrdreg s2  }
0xb0: {  	[dreg:$0x3] =	wrdreg s24  }
0xb1: {  	[dreg:$0x4] =	wrdreg s18  }
0xb2: {  	[dreg:$0x5] =	wrdreg $0x9  }
0xb3: {  	_ =	task.clear_ibuf [dreg:s8], $0x6FFFF;
	_ =	strace $0x90000046  }
0xb4: {  	s29 =	simm.s32 $0x9;
	_ =	strace $0x80000048  }
0xb5: {  	_ =	swait.ge [sflag:s29], $0x1  }
0xb6: {  	[sflag:s29] =	ssyncadd.s32 $0xFFFFFFFF  }
0xb7: {  	_ =	strace $0x90000048  }
0xb8: {  	_ =	sfence  }
0xb9: {  	s30 =	sld [smem:$0x0];
	_ =	sdelay $0x2  }
0xba: {  	s31 =	sshll.u32 s1, $0xD;
	s1 =	sshrl.u32 s1, $0x2  }
0xbb: {  	s3 =	sand.u32 $0x4000, s31;
	s1 =	sadd.s32 s1, s30  }
0xbc: {  	s0 =	sor.u32 s3, s0;
	s1 =	sshll.u32 s1, $0x11  }
0xbd: {  	s0 =	sor.u32 s1, s0  }
0xbe: {  	s0 =	sadd.s32 $0x8F2B, s0  }
0xbf: {  	[sflag:s0] =	ssyncadd.remote.s32 $0x1  }
0xc0: {  	_ =	sfence.sel $0xFFFF  }
0xc1: {  	[dreg:$0x0] =	wrdreg $0xFFFFFFFF;
	(pc) =	sbr.abs _section_cstart, $3  }
0xc2: {  	[dreg:$0x1] =	wrdreg $0xFFFFFFFF  }
0xc3: {  	_ =	task.clear_ibuf [dreg:s8], $0x2FFFF;
	_ =	strace $0x9FFFFFFF  }
0xc4: {  	(tm) =	ssettm $0x7FFFFFFF  }
0xc5: {  	_ =	shalt  }
tec
execute0_lowered:
.L_overlay_start_1:
0x0: {  	(tag) =	ssettag $0x1  }
0x1: {  	s6 =	rddreg [dreg:$0x0]  }
0x2: {  	s4 =	rddreg [dreg:$0x1]  }
0x3: {  	s2 =	rddreg [dreg:$0x2]  }
0x4: {  	s0 =	rddreg [dreg:$0x3];
	s5 =	srdreg.scid  }
0x5: {  	s3 =	simm.s32 $0x0;
	s1 =	stileid.u32;
	s11 =	simm.s32 $0x5000  }
0x6: {  	s12 =	simm.s32 $0x5;
	s13 =	simm.s32 $0x800;
	s14 =	simm.s32 $0x1  }
0x7: {  	s15 =	simm.s32 $0x5008;
	s16 =	simm.s32 $0x5010;
	s17 =	simm.s32 $0x5018  }
0x8: {  	s18 =	simm.s32 $0x400;
	s19 =	simm.s32 $0x10000;
	s20 =	simm.s32 $0x1000  }
0x9: {  	s21 =	simm.s32 $0x2;
	s22 =	simm.s32 $0x4;
	s23 =	simm.s32 $0x3000  }
0xa: {  	s24 =	simm.s32 $0x3;
	s25 =	simm.s32 $0x0;
	s5 =	sand.u32 $0x1, s5  }
0xb: {  	[smem:$0x7FF] =	sst s3;
	s7 =	sshll.u32 s1, $0x3;
	s8 =	sshll.u32 s5, $0x2  }
0xc: {  	s4 =	sadd.s32 $0x400, s4;
	s5 =	ssub.s32 $0x2, s5;
	s7 =	sor.u32 s8, s7  }
0xd: {  	_ =	strace $0x80000047;
	s29 =	sshrl.u32 s5, $0x1;
	s9 =	sor.u32 $0x2, s7  }
0xe: {  	s10 =	ssub.s32 s5, s29;
	s30 =	sshll.u32 s7, $0x7;
	s7 =	sshll.u32 s7, $0x9  }
0xf: {  	s31 =	sshll.u32 s9, $0x7;
	s5 =	sadd.s32 s6, s30;
	s9 =	sshll.u32 s9, $0x9  }
0x10: {  	s10 =	smax.u32 s10, $0x1;
	s6 =	sadd.s32 s6, s31;
	s8 =	sadd.s32 $0x4000, s5  }
.LBB2_1:
0x11: {  	[tilespmem:s11], [sflag:$0x5] =	stream.linear.gather [hbm4b:s4+s3], $0x80, $0x38;
	[tilespmem:$0x5080] =	vst v63  }
0x12: {  	_ =	swait.ge [sflag:s12], $0x80  }
0x13: {  	[sflag:s12] =	ssyncset.done $0x0  }
0x14: {  	s26 =	simm.s32 $0x0;
	[sflag:s12] =	ssyncadd.s32 $0xFFFFFF80  }
0x15: {  	[tilespmem:s3], [sflag:$0x1] =	stream.linear.gather [hbm4b:s5+s3], $0x800, $0x38;
	[tilespmem:$0x5080] =	vst v63  }
.LBB2_2:
0x16: {  	s29 =	sshll.u32 s26, $0xE  }
0x17: {  	s28 =	sadd.s32 s29, s6  }
0x18: {  	[tilespmem:s13], [sflag:$0x2] =	stream.linear.gather [hbm4b:s28+s3], $0x800, $0x38;
	[tilespmem:$0x5080] =	vst v63  }
0x19: {  	_ =	swait.ge [sflag:s14], $0x800  }
0x1a: {  	p0 =	seq.s32 s26, $0x0;
	[sflag:s14] =	ssyncset.done $0x0  }
0x1b: {  	s28 =	simm.s32 @!p0 $0x3;
	[sflag:s14] =	ssyncadd.s32 $0xFFFFF800  }
0x1c: {  	_ =	swait.ge @!p0 [sflag:s28], $0x2000  }
0x1d: {  	[sflag:s28] =	ssyncset.done @!p0 $0x0  }
0x1e: {  	[sflag:s28] =	ssyncadd.s32 @!p0 $0xFFFFE000;
	s28 =	simm.s32 $0x400  }
0x1f: {  	v0 =	vld [tilespmem:s28+$0xF0]  }
0x20: {  	v29 =	vld [tilespmem:s28+$0xFFFFFC10]  }
0x21: {  	v28 =	vld [tilespmem:s28+$0xFFFFFC20]  }
0x22: {  	v27 =	vld [tilespmem:s28+$0xFFFFFC30]  }
0x23: {  	v26 =	vld [tilespmem:s28+$0xFFFFFC40]  }
0x24: {  	v25 =	vld [tilespmem:s28+$0xFFFFFC50]  }
0x25: {  	v24 =	vld [tilespmem:s28+$0xFFFFFC60]  }
0x26: {  	v22 =	vld [tilespmem:s28+$0xFFFFFC70]  }
0x27: {  	v23 =	vld [tilespmem:s28+$0x0]  }
0x28: {  	v21 =	vld [tilespmem:s28+$0x10]  }
0x29: {  	v20 =	vld [tilespmem:s28+$0x20]  }
0x2a: {  	v17 =	vld [tilespmem:s28+$0x30]  }
0x2b: {  	v18 =	vld [tilespmem:s28+$0x40]  }
0x2c: {  	v15 =	vld [tilespmem:s28+$0x50]  }
0x2d: {  	v19 =	vld [tilespmem:s28+$0x60]  }
0x2e: {  	v16 =	vld [tilespmem:s28+$0x70]  }
0x2f: {  	v14 =	vld [tilespmem:s28+$0xFFFFFC80]  }
0x30: {  	v13 =	vld [tilespmem:s28+$0xFFFFFC90]  }
0x31: {  	v11 =	vld [tilespmem:s28+$0xFFFFFCA0]  }
0x32: {  	v9 =	vld [tilespmem:s28+$0xFFFFFCB0]  }
0x33: {  	v12 =	vld [tilespmem:s28+$0xFFFFFCC0]  }
0x34: {  	v10 =	vld [tilespmem:s28+$0xFFFFFCD0]  }
0x35: {  	v8 =	vld [tilespmem:s28+$0xFFFFFCE0]  }
0x36: {  	v7 =	vld [tilespmem:s28+$0xFFFFFCF0]  }
0x37: {  	v5 =	vld [tilespmem:s28+$0x80]  }
0x38: {  	v3 =	vld [tilespmem:s28+$0x90]  }
0x39: {  	v6 =	vld [tilespmem:s28+$0xA0]  }
0x3a: {  	v4 =	vld [tilespmem:s28+$0xB0]  }
0x3b: {  	v2 =	vld [tilespmem:s28+$0xC0]  }
0x3c: {  	v30 =	vld [tilespmem:s28+$0xFFFFFC00]  }
0x3d: {  	v1 =	vld.idx.msk [tilespmem:v0+s11+$0x0], $0xffff  }
0x3e: {  	v32 =	vld.idx.msk [tilespmem:v29+s11+$0x0], $0xffff  }
0x3f: {  	v33 =	vld.idx.msk [tilespmem:v28+s11+$0x0], $0xffff  }
0x40: {  	v34 =	vld.idx.msk [tilespmem:v27+s11+$0x0], $0xffff  }
0x41: {  	v35 =	vld.idx.msk [tilespmem:v26+s11+$0x0], $0xffff  }
0x42: {  	v36 =	vld.idx.msk [tilespmem:v25+s11+$0x0], $0xffff  }
0x43: {  	v50 =	vld.idx.msk [tilespmem:v24+s11+$0x0], $0xffff  }
0x44: {  	s30 =	simm.s32 $0x1400;
	v51 =	vld.idx.msk [tilespmem:v22+s11+$0x0], $0xffff  }
0x45: {  	v37 =	vld.idx.msk [tilespmem:v30+s11+$0x0], $0xffff;
	[tilespmem:s30+$0x270] =	vst v1  }
0x46: {  	v52 =	vld.idx.msk [tilespmem:v23+s11+$0x0], $0xffff;
	[tilespmem:s30+$0xFFFFFC10] =	vst v32  }
0x47: {  	v53 =	vld.idx.msk [tilespmem:v21+s11+$0x0], $0xffff;
	[tilespmem:s30+$0xFFFFFC20] =	vst v33  }
0x48: {  	v54 =	vld.idx.msk [tilespmem:v20+s11+$0x0], $0xffff;
	[tilespmem:s30+$0xFFFFFC30] =	vst v34  }
0x49: {  	v55 =	vld.idx.msk [tilespmem:v17+s11+$0x0], $0xffff;
	[tilespmem:s30+$0xFFFFFC40] =	vst v35  }
0x4a: {  	v56 =	vld.idx.msk [tilespmem:v18+s11+$0x0], $0xffff;
	[tilespmem:s30+$0xFFFFFC50] =	vst v36  }
0x4b: {  	v57 =	vld.idx.msk [tilespmem:v15+s11+$0x0], $0xffff;
	[tilespmem:s30+$0xFFFFFC60] =	vst v50  }
0x4c: {  	v58 =	vld.idx.msk [tilespmem:v19+s11+$0x0], $0xffff;
	[tilespmem:s30+$0xFFFFFC70] =	vst v51  }
0x4d: {  	v59 =	vld.idx.msk [tilespmem:v16+s11+$0x0], $0xffff;
	[tilespmem:s30+$0xFFFFFC00] =	vst v37  }
0x4e: {  	v60 =	vld.idx.msk [tilespmem:v14+s11+$0x0], $0xffff;
	[tilespmem:s30+$0xFFFFFE00] =	vst v52  }
0x4f: {  	v61 =	vld.idx.msk [tilespmem:v13+s11+$0x0], $0xffff;
	[tilespmem:s30+$0xFFFFFE10] =	vst v53  }
0x50: {  	v62 =	vld.idx.msk [tilespmem:v11+s11+$0x0], $0xffff;
	[tilespmem:s30+$0xFFFFFE20] =	vst v54  }
0x51: {  	v63 =	vld.idx.msk [tilespmem:v9+s11+$0x0], $0xffff;
	[tilespmem:s30+$0xFFFFFE30] =	vst v55  }
0x52: {  	v40 =	vld.idx.msk [tilespmem:v12+s11+$0x0], $0xffff;
	[tilespmem:s30+$0xFFFFFE40] =	vst v56  }
0x53: {  	v41 =	vld.idx.msk [tilespmem:v10+s11+$0x0], $0xffff;
	[tilespmem:s30+$0xFFFFFE50] =	vst v57  }
0x54: {  	v42 =	vld.idx.msk [tilespmem:v8+s11+$0x0], $0xffff;
	[tilespmem:s30+$0xFFFFFE60] =	vst v58  }
0x55: {  	v43 =	vld.idx.msk [tilespmem:v7+s11+$0x0], $0xffff;
	[tilespmem:s30+$0xFFFFFE70] =	vst v59  }
0x56: {  	v44 =	vld.idx.msk [tilespmem:v5+s11+$0x0], $0xffff;
	[tilespmem:s30+$0x0] =	vst v60  }
0x57: {  	v45 =	vld.idx.msk [tilespmem:v3+s11+$0x0], $0xffff;
	[tilespmem:s30+$0x10] =	vst v61  }
0x58: {  	v46 =	vld.idx.msk [tilespmem:v6+s11+$0x0], $0xffff;
	[tilespmem:s30+$0x20] =	vst v62  }
0x59: {  	v47 =	vld.idx.msk [tilespmem:v4+s11+$0x0], $0xffff;
	[tilespmem:s30+$0x30] =	vst v63  }
0x5a: {  	v48 =	vld.idx.msk [tilespmem:v2+s11+$0x0], $0xffff;
	[tilespmem:s30+$0x40] =	vst v40  }
0x5b: {  	[tilespmem:s30+$0x50] =	vst v41;
	v1 =	vld.idx.msk [tilespmem:v0+s15+$0x0], $0xffff  }
0x5c: {  	[tilespmem:s30+$0x60] =	vst v42;
	v37 =	vld.idx.msk [tilespmem:v30+s15+$0x0], $0xffff  }
0x5d: {  	[tilespmem:s30+$0x70] =	vst v43;
	v51 =	vld.idx.msk [tilespmem:v29+s15+$0x0], $0xffff  }
0x5e: {  	[tilespmem:s30+$0x200] =	vst v44;
	v52 =	vld.idx.msk [tilespmem:v28+s15+$0x0], $0xffff  }
0x5f: {  	[tilespmem:s30+$0x210] =	vst v45;
	v53 =	vld.idx.msk [tilespmem:v27+s15+$0x0], $0xffff  }
0x60: {  	[tilespmem:s30+$0x220] =	vst v46;
	v54 =	vld.idx.msk [tilespmem:v26+s15+$0x0], $0xffff  }
0x61: {  	[tilespmem:s30+$0x230] =	vst v47;
	v55 =	vld.idx.msk [tilespmem:v25+s15+$0x0], $0xffff  }
0x62: {  	[tilespmem:s30+$0x240] =	vst v48;
	v56 =	vld.idx.msk [tilespmem:v24+s15+$0x0], $0xffff  }
0x63: {  	v57 =	vld.idx.msk [tilespmem:v22+s15+$0x0], $0xffff;
	[tilespmem:s30+$0x2F0] =	vst v1  }
0x64: {  	v58 =	vld.idx.msk [tilespmem:v23+s15+$0x0], $0xffff;
	[tilespmem:s30+$0xFFFFFC80] =	vst v37  }
0x65: {  	v59 =	vld.idx.msk [tilespmem:v21+s15+$0x0], $0xffff;
	[tilespmem:s30+$0xFFFFFC90] =	vst v51  }
0x66: {  	v60 =	vld.idx.msk [tilespmem:v20+s15+$0x0], $0xffff;
	[tilespmem:s30+$0xFFFFFCA0] =	vst v52  }
0x67: {  	v61 =	vld.idx.msk [tilespmem:v17+s15+$0x0], $0xffff;
	[tilespmem:s30+$0xFFFFFCB0] =	vst v53  }
0x68: {  	v62 =	vld.idx.msk [tilespmem:v18+s15+$0x0], $0xffff;
	[tilespmem:s30+$0xFFFFFCC0] =	vst v54  }
0x69: {  	v63 =	vld.idx.msk [tilespmem:v15+s15+$0x0], $0xffff;
	[tilespmem:s30+$0xFFFFFCD0] =	vst v55  }
0x6a: {  	v40 =	vld.idx.msk [tilespmem:v19+s15+$0x0], $0xffff;
	[tilespmem:s30+$0xFFFFFCE0] =	vst v56  }
0x6b: {  	v41 =	vld.idx.msk [tilespmem:v16+s15+$0x0], $0xffff;
	[tilespmem:s30+$0xFFFFFCF0] =	vst v57  }
0x6c: {  	v42 =	vld.idx.msk [tilespmem:v14+s15+$0x0], $0xffff;
	[tilespmem:s30+$0xFFFFFE80] =	vst v58  }
0x6d: {  	v43 =	vld.idx.msk [tilespmem:v13+s15+$0x0], $0xffff;
	[tilespmem:s30+$0xFFFFFE90] =	vst v59  }
0x6e: {  	v44 =	vld.idx.msk [tilespmem:v11+s15+$0x0], $0xffff;
	[tilespmem:s30+$0xFFFFFEA0] =	vst v60  }
0x6f: {  	v45 =	vld.idx.msk [tilespmem:v9+s15+$0x0], $0xffff;
	[tilespmem:s30+$0xFFFFFEB0] =	vst v61  }
0x70: {  	v46 =	vld.idx.msk [tilespmem:v12+s15+$0x0], $0xffff;
	[tilespmem:s30+$0xFFFFFEC0] =	vst v62  }
0x71: {  	v47 =	vld.idx.msk [tilespmem:v10+s15+$0x0], $0xffff;
	[tilespmem:s30+$0xFFFFFED0] =	vst v63  }
0x72: {  	v48 =	vld.idx.msk [tilespmem:v8+s15+$0x0], $0xffff;
	[tilespmem:s30+$0xFFFFFEE0] =	vst v40  }
0x73: {  	[tilespmem:s30+$0xFFFFFEF0] =	vst v41;
	v51 =	vld.idx.msk [tilespmem:v3+s15+$0x0], $0xffff  }
0x74: {  	[tilespmem:s30+$0x80] =	vst v42;
	v52 =	vld.idx.msk [tilespmem:v6+s15+$0x0], $0xffff  }
0x75: {  	[tilespmem:s30+$0x90] =	vst v43;
	v53 =	vld.idx.msk [tilespmem:v4+s15+$0x0], $0xffff  }
0x76: {  	[tilespmem:s30+$0xA0] =	vst v44;
	v54 =	vld.idx.msk [tilespmem:v2+s15+$0x0], $0xffff  }
0x77: {  	[tilespmem:s30+$0xB0] =	vst v45;
	v1 =	vld.idx.msk [tilespmem:v0+s16+$0x0], $0xffff  }
0x78: {  	[tilespmem:s30+$0xC0] =	vst v46;
	v37 =	vld.idx.msk [tilespmem:v30+s16+$0x0], $0xffff  }
0x79: {  	[tilespmem:s30+$0xD0] =	vst v47;
	v57 =	vld.idx.msk [tilespmem:v29+s16+$0x0], $0xffff  }
0x7a: {  	[tilespmem:s30+$0xE0] =	vst v48;
	v58 =	vld.idx.msk [tilespmem:v28+s16+$0x0], $0xffff  }
0x7b: {  	v59 =	vld.idx.msk [tilespmem:v27+s16+$0x0], $0xffff;
	[tilespmem:s30+$0x290] =	vst v51  }
0x7c: {  	v60 =	vld.idx.msk [tilespmem:v26+s16+$0x0], $0xffff;
	[tilespmem:s30+$0x2A0] =	vst v52  }
0x7d: {  	v61 =	vld.idx.msk [tilespmem:v25+s16+$0x0], $0xffff;
	[tilespmem:s30+$0x2B0] =	vst v53  }
0x7e: {  	v62 =	vld.idx.msk [tilespmem:v24+s16+$0x0], $0xffff;
	[tilespmem:s30+$0x2C0] =	vst v54  }
0x7f: {  	v63 =	vld.idx.msk [tilespmem:v22+s16+$0x0], $0xffff;
	[tilespmem:s30+$0x370] =	vst v1  }
0x80: {  	v40 =	vld.idx.msk [tilespmem:v23+s16+$0x0], $0xffff;
	[tilespmem:s30+$0xFFFFFD00] =	vst v37  }
0x81: {  	v41 =	vld.idx.msk [tilespmem:v21+s16+$0x0], $0xffff;
	[tilespmem:s30+$0xFFFFFD10] =	vst v57  }
0x82: {  	v42 =	vld.idx.msk [tilespmem:v20+s16+$0x0], $0xffff;
	[tilespmem:s30+$0xFFFFFD20] =	vst v58  }
0x83: {  	v43 =	vld.idx.msk [tilespmem:v17+s16+$0x0], $0xffff;
	[tilespmem:s30+$0xFFFFFD30] =	vst v59  }
0x84: {  	v44 =	vld.idx.msk [tilespmem:v18+s16+$0x0], $0xffff;
	[tilespmem:s30+$0xFFFFFD40] =	vst v60  }
0x85: {  	v45 =	vld.idx.msk [tilespmem:v15+s16+$0x0], $0xffff;
	[tilespmem:s30+$0xFFFFFD50] =	vst v61  }
0x86: {  	v46 =	vld.idx.msk [tilespmem:v19+s16+$0x0], $0xffff;
	[tilespmem:s30+$0xFFFFFD60] =	vst v62  }
0x87: {  	v47 =	vld.idx.msk [tilespmem:v16+s16+$0x0], $0xffff;
	[tilespmem:s30+$0xFFFFFD70] =	vst v63  }
0x88: {  	v48 =	vld.idx.msk [tilespmem:v14+s16+$0x0], $0xffff;
	[tilespmem:s30+$0xFFFFFF00] =	vst v40  }
0x89: {  	v51 =	vld.idx.msk [tilespmem:v9+s16+$0x0], $0xffff;
	[tilespmem:s30+$0xFFFFFF10] =	vst v41  }
0x8a: {  	v52 =	vld.idx.msk [tilespmem:v12+s16+$0x0], $0xffff;
	[tilespmem:s30+$0xFFFFFF20] =	vst v42  }
0x8b: {  	v53 =	vld.idx.msk [tilespmem:v10+s16+$0x0], $0xffff;
	[tilespmem:s30+$0xFFFFFF30] =	vst v43  }
0x8c: {  	v54 =	vld.idx.msk [tilespmem:v8+s16+$0x0], $0xffff;
	[tilespmem:s30+$0xFFFFFF40] =	vst v44  }
0x8d: {  	v1 =	vld [tilespmem:s28+$0xD0];
	[tilespmem:s30+$0xFFFFFF50] =	vst v45  }
0x8e: {  	[tilespmem:s30+$0xFFFFFF60] =	vst v46;
	v57 =	vld.idx.msk [tilespmem:v3+s16+$0x0], $0xffff  }
0x8f: {  	[tilespmem:s30+$0xFFFFFF70] =	vst v47;
	v58 =	vld.idx.msk [tilespmem:v6+s16+$0x0], $0xffff  }
0x90: {  	[tilespmem:s30+$0x100] =	vst v48;
	v59 =	vld.idx.msk [tilespmem:v4+s16+$0x0], $0xffff  }
0x91: {  	v60 =	vld.idx.msk [tilespmem:v2+s16+$0x0], $0xffff;
	[tilespmem:s30+$0x130] =	vst v51  }
0x92: {  	v31 =	vld.idx.msk [tilespmem:v0+s17+$0x0], $0xffff;
	[tilespmem:s30+$0x140] =	vst v52  }
0x93: {  	v0 =	vld [tilespmem:s28+$0xE0];
	[tilespmem:s30+$0x150] =	vst v53  }
0x94: {  	v30 =	vld.idx.msk [tilespmem:v30+s17+$0x0], $0xffff;
	[tilespmem:s30+$0x160] =	vst v54  }
0x95: {  	v29 =	vld.idx.msk [tilespmem:v29+s17+$0x0], $0xffff;
	[tilespmem:s30+$0x310] =	vst v57  }
0x96: {  	v28 =	vld.idx.msk [tilespmem:v28+s17+$0x0], $0xffff;
	[tilespmem:s30+$0x320] =	vst v58  }
0x97: {  	v27 =	vld.idx.msk [tilespmem:v27+s17+$0x0], $0xffff;
	[tilespmem:s30+$0x330] =	vst v59  }
0x98: {  	v26 =	vld.idx.msk [tilespmem:v26+s17+$0x0], $0xffff;
	[tilespmem:s30+$0x340] =	vst v60  }
0x99: {  	v25 =	vld.idx.msk [tilespmem:v25+s17+$0x0], $0xffff;
	[tilespmem:s30+$0x3F0] =	vst v31  }
0x9a: {  	v24 =	vld.idx.msk [tilespmem:v24+s17+$0x0], $0xffff;
	[tilespmem:s30+$0xFFFFFD80] =	vst v30  }
0x9b: {  	v22 =	vld.idx.msk [tilespmem:v22+s17+$0x0], $0xffff;
	[tilespmem:s30+$0xFFFFFD90] =	vst v29  }
0x9c: {  	v23 =	vld.idx.msk [tilespmem:v23+s17+$0x0], $0xffff;
	[tilespmem:s30+$0xFFFFFDA0] =	vst v28  }
0x9d: {  	v21 =	vld.idx.msk [tilespmem:v21+s17+$0x0], $0xffff;
	[tilespmem:s30+$0xFFFFFDB0] =	vst v27  }
0x9e: {  	v20 =	vld.idx.msk [tilespmem:v20+s17+$0x0], $0xffff;
	[tilespmem:s30+$0xFFFFFDC0] =	vst v26  }
0x9f: {  	v17 =	vld.idx.msk [tilespmem:v17+s17+$0x0], $0xffff;
	[tilespmem:s30+$0xFFFFFDD0] =	vst v25  }
0xa0: {  	v18 =	vld.idx.msk [tilespmem:v18+s17+$0x0], $0xffff;
	[tilespmem:s30+$0xFFFFFDE0] =	vst v24  }
0xa1: {  	v15 =	vld.idx.msk [tilespmem:v15+s17+$0x0], $0xffff;
	[tilespmem:s30+$0xFFFFFDF0] =	vst v22  }
0xa2: {  	v19 =	vld.idx.msk [tilespmem:v19+s17+$0x0], $0xffff;
	[tilespmem:s30+$0xFFFFFF80] =	vst v23  }
0xa3: {  	v16 =	vld.idx.msk [tilespmem:v16+s17+$0x0], $0xffff;
	[tilespmem:s30+$0xFFFFFF90] =	vst v21  }
0xa4: {  	v14 =	vld.idx.msk [tilespmem:v14+s17+$0x0], $0xffff;
	[tilespmem:s30+$0xFFFFFFA0] =	vst v20  }
0xa5: {  	v9 =	vld.idx.msk [tilespmem:v9+s17+$0x0], $0xffff;
	[tilespmem:s30+$0xFFFFFFB0] =	vst v17  }
0xa6: {  	[tilespmem:s30+$0xFFFFFFC0] =	vst v18;
	v49 =	vld.idx.msk [tilespmem:v1+s11+$0x0], $0xffff  }
0xa7: {  	[tilespmem:s30+$0xFFFFFFD0] =	vst v15;
	v50 =	vld.idx.msk [tilespmem:v0+s11+$0x0], $0xffff  }
0xa8: {  	v12 =	vld.idx.msk [tilespmem:v12+s17+$0x0], $0xffff;
	[tilespmem:s30+$0xFFFFFFE0] =	vst v19  }
0xa9: {  	v10 =	vld.idx.msk [tilespmem:v10+s17+$0x0], $0xffff;
	[tilespmem:s30+$0xFFFFFFF0] =	vst v16  }
0xaa: {  	v63 =	vld.idx.msk [tilespmem:v8+s17+$0x0], $0xffff;
	[tilespmem:s30+$0x180] =	vst v14  }
0xab: {  	[tilespmem:s30+$0x250] =	vst v49;
	v49 =	vld.idx.msk [tilespmem:v7+s15+$0x0], $0xffff  }
0xac: {  	[tilespmem:s30+$0x260] =	vst v50;
	v50 =	vld.idx.msk [tilespmem:v5+s15+$0x0], $0xffff  }
0xad: {  	[tilespmem:s30+$0x1B0] =	vst v9;
	v55 =	vld.idx.msk [tilespmem:v1+s15+$0x0], $0xffff  }
0xae: {  	[tilespmem:s30+$0x1C0] =	vst v12;
	v56 =	vld.idx.msk [tilespmem:v0+s15+$0x0], $0xffff  }
0xaf: {  	v8 =	vld.idx.msk [tilespmem:v3+s17+$0x0], $0xffff;
	[tilespmem:s30+$0x1D0] =	vst v10  }
0xb0: {  	[tilespmem:s30+$0xF0] =	vst v49;
	v49 =	vld.idx.msk [tilespmem:v13+s16+$0x0], $0xffff  }
0xb1: {  	[tilespmem:s30+$0x280] =	vst v50;
	v50 =	vld.idx.msk [tilespmem:v11+s16+$0x0], $0xffff  }
0xb2: {  	[tilespmem:s30+$0x2D0] =	vst v55;
	v55 =	vld.idx.msk [tilespmem:v7+s16+$0x0], $0xffff  }
0xb3: {  	[tilespmem:s30+$0x2E0] =	vst v56;
	v56 =	vld.idx.msk [tilespmem:v5+s16+$0x0], $0xffff  }
0xb4: {  	[tilespmem:s30+$0x1E0] =	vst v63;
	v61 =	vld.idx.msk [tilespmem:v1+s16+$0x0], $0xffff  }
0xb5: {  	v62 =	vld.idx.msk [tilespmem:v0+s16+$0x0], $0xffff;
	[tilespmem:s30+$0x110] =	vst v49  }
0xb6: {  	[tilespmem:s30+$0x120] =	vst v50;
	v13 =	vld.idx.msk [tilespmem:v13+s17+$0x0], $0xffff  }
0xb7: {  	[tilespmem:s30+$0x170] =	vst v55;
	v11 =	vld.idx.msk [tilespmem:v11+s17+$0x0], $0xffff  }
0xb8: {  	[tilespmem:s30+$0x300] =	vst v56;
	v7 =	vld.idx.msk [tilespmem:v7+s17+$0x0], $0xffff  }
0xb9: {  	[tilespmem:s30+$0x350] =	vst v61;
	v5 =	vld.idx.msk [tilespmem:v5+s17+$0x0], $0xffff  }
0xba: {  	v6 =	vld.idx.msk [tilespmem:v6+s17+$0x0], $0xffff;
	[tilespmem:s30+$0x360] =	vst v62  }
0xbb: {  	v4 =	vld.idx.msk [tilespmem:v4+s17+$0x0], $0xffff;
	[tilespmem:s30+$0x190] =	vst v13  }
0xbc: {  	v2 =	vld.idx.msk [tilespmem:v2+s17+$0x0], $0xffff;
	[tilespmem:s30+$0x1A0] =	vst v11  }
0xbd: {  	v1 =	vld.idx.msk [tilespmem:v1+s17+$0x0], $0xffff;
	[tilespmem:s30+$0x1F0] =	vst v7  }
0xbe: {  	s31 =	simm.s32 $0x500;
	s28 =	simm.s32 $0x0;
	v0 =	vld.idx.msk [tilespmem:v0+s17+$0x0], $0xffff;
	[tilespmem:s30+$0x380] =	vst v5  }
.LBB2_3:
0xbf: {  	v3 =	vld [tilespmem:s31+$0xF0];
	s28 =	sadd.s32 $0x20, s28;
	[tilespmem:s30+$0x390] =	vst v8  }
0xc0: {  	v23 =	vld [tilespmem:s31+$0xFFFFFC10];
	p1 =	slt.u32 s28, $0x60;
	[tilespmem:s30+$0x3A0] =	vst v6  }
0xc1: {  	v26 =	vld [tilespmem:s31+$0xFFFFFC20];
	[tilespmem:s30+$0x3B0] =	vst v4  }
0xc2: {  	v27 =	vld [tilespmem:s31+$0xFFFFFC30];
	[tilespmem:s30+$0x3C0] =	vst v2  }
0xc3: {  	v28 =	vld [tilespmem:s31+$0xFFFFFC40];
	[tilespmem:s30+$0x3D0] =	vst v1  }
0xc4: {  	v29 =	vld [tilespmem:s31+$0xFFFFFC50];
	[tilespmem:s30+$0x3E0] =	vst v0  }
0xc5: {  	v24 =	vld [tilespmem:s31+$0xFFFFFC60]  }
0xc6: {  	v21 =	vld [tilespmem:s31+$0xFFFFFC70]  }
0xc7: {  	v0 =	vld.idx.msk [tilespmem:v3+s11+$0x0], $0xffff  }
0xc8: {  	v25 =	vld [tilespmem:s31+$0x0]  }
0xc9: {  	v22 =	vld [tilespmem:s31+$0x10]  }
0xca: {  	v19 =	vld [tilespmem:s31+$0x20]  }
0xcb: {  	v17 =	vld [tilespmem:s31+$0x30]  }
0xcc: {  	s30 =	sadd.s32 $0x800, s30;
	v14 =	vld [tilespmem:s31+$0x40]  }
0xcd: {  	v15 =	vld [tilespmem:s31+$0x50];
	[tilespmem:s30+$0x270] =	vst v0  }
0xce: {  	v0 =	vld.idx.msk [tilespmem:v3+s15+$0x0], $0xffff  }
0xcf: {  	v20 =	vld [tilespmem:s31+$0x60]  }
0xd0: {  	v18 =	vld [tilespmem:s31+$0x70]  }
0xd1: {  	v16 =	vld [tilespmem:s31+$0xFFFFFC80]  }
0xd2: {  	v12 =	vld [tilespmem:s31+$0xFFFFFC90]  }
0xd3: {  	v10 =	vld [tilespmem:s31+$0xFFFFFCA0]  }
0xd4: {  	v8 =	vld [tilespmem:s31+$0xFFFFFCB0];
	[tilespmem:s30+$0x2F0] =	vst v0  }
0xd5: {  	v0 =	vld.idx.msk [tilespmem:v3+s16+$0x0], $0xffff  }
0xd6: {  	v13 =	vld [tilespmem:s31+$0xFFFFFCC0]  }
0xd7: {  	v11 =	vld [tilespmem:s31+$0xFFFFFCD0]  }
0xd8: {  	v9 =	vld [tilespmem:s31+$0xFFFFFCE0]  }
0xd9: {  	v6 =	vld [tilespmem:s31+$0xFFFFFCF0]  }
0xda: {  	v4 =	vld [tilespmem:s31+$0x80]  }
0xdb: {  	v2 =	vld [tilespmem:s31+$0x90];
	[tilespmem:s30+$0x370] =	vst v0  }
0xdc: {  	v31 =	vld.idx.msk [tilespmem:v3+s17+$0x0], $0xffff  }
0xdd: {  	v7 =	vld [tilespmem:s31+$0xA0]  }
0xde: {  	v5 =	vld [tilespmem:s31+$0xB0]  }
0xdf: {  	v3 =	vld [tilespmem:s31+$0xC0]  }
0xe0: {  	v1 =	vld [tilespmem:s31+$0xD0]  }
0xe1: {  	v0 =	vld [tilespmem:s31+$0xE0]  }
0xe2: {  	v30 =	vld [tilespmem:s31+$0xFFFFFC00];
	[tilespmem:s30+$0x3F0] =	vst v31  }
0xe3: {  	v31 =	vld.idx.msk [tilespmem:v23+s11+$0x0], $0xffff  }
0xe4: {  	v32 =	vld.idx.msk [tilespmem:v26+s11+$0x0], $0xffff  }
0xe5: {  	v33 =	vld.idx.msk [tilespmem:v27+s11+$0x0], $0xffff  }
0xe6: {  	v34 =	vld.idx.msk [tilespmem:v28+s11+$0x0], $0xffff  }
0xe7: {  	v35 =	vld.idx.msk [tilespmem:v29+s11+$0x0], $0xffff  }
0xe8: {  	v36 =	vld.idx.msk [tilespmem:v24+s11+$0x0], $0xffff  }
0xe9: {  	[tilespmem:s30+$0xFFFFFC10] =	vst v31;
	v31 =	vld.idx.msk [tilespmem:v21+s11+$0x0], $0xffff  }
0xea: {  	v37 =	vld.idx.msk [tilespmem:v30+s11+$0x0], $0xffff;
	[tilespmem:s30+$0xFFFFFC20] =	vst v32  }
0xeb: {  	[tilespmem:s30+$0xFFFFFC30] =	vst v33;
	v32 =	vld.idx.msk [tilespmem:v25+s11+$0x0], $0xffff  }
0xec: {  	[tilespmem:s30+$0xFFFFFC40] =	vst v34;
	v33 =	vld.idx.msk [tilespmem:v22+s11+$0x0], $0xffff  }
0xed: {  	[tilespmem:s30+$0xFFFFFC50] =	vst v35;
	v34 =	vld.idx.msk [tilespmem:v19+s11+$0x0], $0xffff  }
0xee: {  	[tilespmem:s30+$0xFFFFFC60] =	vst v36;
	v35 =	vld.idx.msk [tilespmem:v17+s11+$0x0], $0xffff  }
0xef: {  	[tilespmem:s30+$0xFFFFFC70] =	vst v31;
	v31 =	vld.idx.msk [tilespmem:v14+s11+$0x0], $0xffff  }
0xf0: {  	[tilespmem:s30+$0xFFFFFC00] =	vst v37;
	v36 =	vld.idx.msk [tilespmem:v15+s11+$0x0], $0xffff  }
0xf1: {  	[tilespmem:s30+$0xFFFFFE00] =	vst v32;
	v32 =	vld.idx.msk [tilespmem:v20+s11+$0x0], $0xffff  }
0xf2: {  	[tilespmem:s30+$0xFFFFFE10] =	vst v33;
	v33 =	vld.idx.msk [tilespmem:v18+s11+$0x0], $0xffff  }
0xf3: {  	[tilespmem:s30+$0xFFFFFE20] =	vst v34;
	v34 =	vld.idx.msk [tilespmem:v16+s11+$0x0], $0xffff  }
0xf4: {  	[tilespmem:s30+$0xFFFFFE30] =	vst v35;
	v35 =	vld.idx.msk [tilespmem:v12+s11+$0x0], $0xffff  }
0xf5: {  	[tilespmem:s30+$0xFFFFFE40] =	vst v31;
	v31 =	vld.idx.msk [tilespmem:v10+s11+$0x0], $0xffff  }
0xf6: {  	[tilespmem:s30+$0xFFFFFE50] =	vst v36;
	v36 =	vld.idx.msk [tilespmem:v8+s11+$0x0], $0xffff  }
0xf7: {  	[tilespmem:s30+$0xFFFFFE60] =	vst v32;
	v32 =	vld.idx.msk [tilespmem:v13+s11+$0x0], $0xffff  }
0xf8: {  	[tilespmem:s30+$0xFFFFFE70] =	vst v33;
	v33 =	vld.idx.msk [tilespmem:v11+s11+$0x0], $0xffff  }
0xf9: {  	[tilespmem:s30+$0x0] =	vst v34;
	v34 =	vld.idx.msk [tilespmem:v9+s11+$0x0], $0xffff  }
0xfa: {  	[tilespmem:s30+$0x10] =	vst v35;
	v35 =	vld.idx.msk [tilespmem:v6+s11+$0x0], $0xffff  }
0xfb: {  	[tilespmem:s30+$0x20] =	vst v31;
	v31 =	vld.idx.msk [tilespmem:v4+s11+$0x0], $0xffff  }
0xfc: {  	[tilespmem:s30+$0x30] =	vst v36;
	v36 =	vld.idx.msk [tilespmem:v2+s11+$0x0], $0xffff  }
0xfd: {  	[tilespmem:s30+$0x40] =	vst v32;
	v32 =	vld.idx.msk [tilespmem:v7+s11+$0x0], $0xffff  }
0xfe: {  	[tilespmem:s30+$0x50] =	vst v33;
	v33 =	vld.idx.msk [tilespmem:v5+s11+$0x0], $0xffff  }
0xff: {  	[tilespmem:s30+$0x60] =	vst v34;
	v34 =	vld.idx.msk [tilespmem:v3+s11+$0x0], $0xffff  }
0x100: {  	[tilespmem:s30+$0x70] =	vst v35;
	v35 =	vld.idx.msk [tilespmem:v1+s11+$0x0], $0xffff  }
0x101: {  	[tilespmem:s30+$0x200] =	vst v31;
	v31 =	vld.idx.msk [tilespmem:v0+s11+$0x0], $0xffff  }
0x102: {  	v37 =	vld.idx.msk [tilespmem:v30+s15+$0x0], $0xffff;
	[tilespmem:s30+$0x210] =	vst v36  }
0x103: {  	v36 =	vld.idx.msk [tilespmem:v23+s15+$0x0], $0xffff;
	[tilespmem:s30+$0x220] =	vst v32  }
0x104: {  	v32 =	vld.idx.msk [tilespmem:v26+s15+$0x0], $0xffff;
	[tilespmem:s30+$0x230] =	vst v33  }
0x105: {  	v33 =	vld.idx.msk [tilespmem:v27+s15+$0x0], $0xffff;
	[tilespmem:s30+$0x240] =	vst v34  }
0x106: {  	v34 =	vld.idx.msk [tilespmem:v28+s15+$0x0], $0xffff;
	[tilespmem:s30+$0x250] =	vst v35  }
0x107: {  	v35 =	vld.idx.msk [tilespmem:v29+s15+$0x0], $0xffff;
	[tilespmem:s30+$0x260] =	vst v31  }
0x108: {  	[tilespmem:s30+$0xFFFFFC80] =	vst v37;
	v31 =	vld.idx.msk [tilespmem:v24+s15+$0x0], $0xffff  }
0x109: {  	[tilespmem:s30+$0xFFFFFC90] =	vst v36;
	v36 =	vld.idx.msk [tilespmem:v21+s15+$0x0], $0xffff  }
0x10a: {  	[tilespmem:s30+$0xFFFFFCA0] =	vst v32;
	v32 =	vld.idx.msk [tilespmem:v25+s15+$0x0], $0xffff  }
0x10b: {  	[tilespmem:s30+$0xFFFFFCB0] =	vst v33;
	v33 =	vld.idx.msk [tilespmem:v22+s15+$0x0], $0xffff  }
0x10c: {  	[tilespmem:s30+$0xFFFFFCC0] =	vst v34;
	v34 =	vld.idx.msk [tilespmem:v19+s15+$0x0], $0xffff  }
0x10d: {  	[tilespmem:s30+$0xFFFFFCD0] =	vst v35;
	v35 =	vld.idx.msk [tilespmem:v17+s15+$0x0], $0xffff  }
0x10e: {  	[tilespmem:s30+$0xFFFFFCE0] =	vst v31;
	v31 =	vld.idx.msk [tilespmem:v14+s15+$0x0], $0xffff  }
0x10f: {  	[tilespmem:s30+$0xFFFFFCF0] =	vst v36;
	v36 =	vld.idx.msk [tilespmem:v15+s15+$0x0], $0xffff  }
0x110: {  	[tilespmem:s30+$0xFFFFFE80] =	vst v32;
	v32 =	vld.idx.msk [tilespmem:v20+s15+$0x0], $0xffff  }
0x111: {  	[tilespmem:s30+$0xFFFFFE90] =	vst v33;
	v33 =	vld.idx.msk [tilespmem:v18+s15+$0x0], $0xffff  }
0x112: {  	[tilespmem:s30+$0xFFFFFEA0] =	vst v34;
	v34 =	vld.idx.msk [tilespmem:v16+s15+$0x0], $0xffff  }
0x113: {  	[tilespmem:s30+$0xFFFFFEB0] =	vst v35;
	v35 =	vld.idx.msk [tilespmem:v12+s15+$0x0], $0xffff  }
0x114: {  	[tilespmem:s30+$0xFFFFFEC0] =	vst v31;
	v31 =	vld.idx.msk [tilespmem:v10+s15+$0x0], $0xffff  }
0x115: {  	[tilespmem:s30+$0xFFFFFED0] =	vst v36;
	v36 =	vld.idx.msk [tilespmem:v8+s15+$0x0], $0xffff  }
0x116: {  	[tilespmem:s30+$0xFFFFFEE0] =	vst v32;
	v32 =	vld.idx.msk [tilespmem:v13+s15+$0x0], $0xffff  }
0x117: {  	[tilespmem:s30+$0xFFFFFEF0] =	vst v33;
	v33 =	vld.idx.msk [tilespmem:v11+s15+$0x0], $0xffff  }
0x118: {  	[tilespmem:s30+$0x80] =	vst v34;
	v34 =	vld.idx.msk [tilespmem:v9+s15+$0x0], $0xffff  }
0x119: {  	[tilespmem:s30+$0x90] =	vst v35;
	v35 =	vld.idx.msk [tilespmem:v6+s15+$0x0], $0xffff  }
0x11a: {  	[tilespmem:s30+$0xA0] =	vst v31;
	v31 =	vld.idx.msk [tilespmem:v4+s15+$0x0], $0xffff  }
0x11b: {  	[tilespmem:s30+$0xB0] =	vst v36;
	v36 =	vld.idx.msk [tilespmem:v2+s15+$0x0], $0xffff  }
0x11c: {  	[tilespmem:s30+$0xC0] =	vst v32;
	v32 =	vld.idx.msk [tilespmem:v7+s15+$0x0], $0xffff  }
0x11d: {  	[tilespmem:s30+$0xD0] =	vst v33;
	v33 =	vld.idx.msk [tilespmem:v5+s15+$0x0], $0xffff  }
0x11e: {  	[tilespmem:s30+$0xE0] =	vst v34;
	v34 =	vld.idx.msk [tilespmem:v3+s15+$0x0], $0xffff  }
0x11f: {  	[tilespmem:s30+$0xF0] =	vst v35;
	v35 =	vld.idx.msk [tilespmem:v1+s15+$0x0], $0xffff  }
0x120: {  	[tilespmem:s30+$0x280] =	vst v31;
	v31 =	vld.idx.msk [tilespmem:v0+s15+$0x0], $0xffff  }
0x121: {  	v37 =	vld.idx.msk [tilespmem:v30+s16+$0x0], $0xffff;
	[tilespmem:s30+$0x290] =	vst v36  }
0x122: {  	v36 =	vld.idx.msk [tilespmem:v23+s16+$0x0], $0xffff;
	[tilespmem:s30+$0x2A0] =	vst v32  }
0x123: {  	v32 =	vld.idx.msk [tilespmem:v26+s16+$0x0], $0xffff;
	[tilespmem:s30+$0x2B0] =	vst v33  }
0x124: {  	v33 =	vld.idx.msk [tilespmem:v27+s16+$0x0], $0xffff;
	[tilespmem:s30+$0x2C0] =	vst v34  }
0x125: {  	v34 =	vld.idx.msk [tilespmem:v28+s16+$0x0], $0xffff;
	[tilespmem:s30+$0x2D0] =	vst v35  }
0x126: {  	v35 =	vld.idx.msk [tilespmem:v29+s16+$0x0], $0xffff;
	[tilespmem:s30+$0x2E0] =	vst v31  }
0x127: {  	[tilespmem:s30+$0xFFFFFD00] =	vst v37;
	v31 =	vld.idx.msk [tilespmem:v24+s16+$0x0], $0xffff  }
0x128: {  	[tilespmem:s30+$0xFFFFFD10] =	vst v36;
	v36 =	vld.idx.msk [tilespmem:v21+s16+$0x0], $0xffff  }
0x129: {  	[tilespmem:s30+$0xFFFFFD20] =	vst v32;
	v32 =	vld.idx.msk [tilespmem:v25+s16+$0x0], $0xffff  }
0x12a: {  	[tilespmem:s30+$0xFFFFFD30] =	vst v33;
	v33 =	vld.idx.msk [tilespmem:v22+s16+$0x0], $0xffff  }
0x12b: {  	[tilespmem:s30+$0xFFFFFD40] =	vst v34;
	v34 =	vld.idx.msk [tilespmem:v19+s16+$0x0], $0xffff  }
0x12c: {  	[tilespmem:s30+$0xFFFFFD50] =	vst v35;
	v35 =	vld.idx.msk [tilespmem:v17+s16+$0x0], $0xffff  }
0x12d: {  	[tilespmem:s30+$0xFFFFFD60] =	vst v31;
	v31 =	vld.idx.msk [tilespmem:v14+s16+$0x0], $0xffff  }
0x12e: {  	[tilespmem:s30+$0xFFFFFD70] =	vst v36;
	v36 =	vld.idx.msk [tilespmem:v15+s16+$0x0], $0xffff  }
0x12f: {  	[tilespmem:s30+$0xFFFFFF00] =	vst v32;
	v32 =	vld.idx.msk [tilespmem:v20+s16+$0x0], $0xffff  }
0x130: {  	[tilespmem:s30+$0xFFFFFF10] =	vst v33;
	v33 =	vld.idx.msk [tilespmem:v18+s16+$0x0], $0xffff  }
0x131: {  	[tilespmem:s30+$0xFFFFFF20] =	vst v34;
	v34 =	vld.idx.msk [tilespmem:v16+s16+$0x0], $0xffff  }
0x132: {  	[tilespmem:s30+$0xFFFFFF30] =	vst v35;
	v35 =	vld.idx.msk [tilespmem:v12+s16+$0x0], $0xffff  }
0x133: {  	[tilespmem:s30+$0xFFFFFF40] =	vst v31;
	v31 =	vld.idx.msk [tilespmem:v10+s16+$0x0], $0xffff  }
0x134: {  	[tilespmem:s30+$0xFFFFFF50] =	vst v36;
	v36 =	vld.idx.msk [tilespmem:v8+s16+$0x0], $0xffff  }
0x135: {  	[tilespmem:s30+$0xFFFFFF60] =	vst v32;
	v32 =	vld.idx.msk [tilespmem:v13+s16+$0x0], $0xffff  }
0x136: {  	[tilespmem:s30+$0xFFFFFF70] =	vst v33;
	v33 =	vld.idx.msk [tilespmem:v11+s16+$0x0], $0xffff  }
0x137: {  	[tilespmem:s30+$0x100] =	vst v34;
	v34 =	vld.idx.msk [tilespmem:v9+s16+$0x0], $0xffff  }
0x138: {  	[tilespmem:s30+$0x110] =	vst v35;
	v35 =	vld.idx.msk [tilespmem:v6+s16+$0x0], $0xffff  }
0x139: {  	[tilespmem:s30+$0x120] =	vst v31;
	v31 =	vld.idx.msk [tilespmem:v4+s16+$0x0], $0xffff  }
0x13a: {  	[tilespmem:s30+$0x130] =	vst v36;
	v36 =	vld.idx.msk [tilespmem:v2+s16+$0x0], $0xffff  }
0x13b: {  	[tilespmem:s30+$0x140] =	vst v32;
	v32 =	vld.idx.msk [tilespmem:v7+s16+$0x0], $0xffff  }
0x13c: {  	[tilespmem:s30+$0x150] =	vst v33;
	v33 =	vld.idx.msk [tilespmem:v5+s16+$0x0], $0xffff  }
0x13d: {  	[tilespmem:s30+$0x160] =	vst v34;
	v34 =	vld.idx.msk [tilespmem:v3+s16+$0x0], $0xffff  }
0x13e: {  	[tilespmem:s30+$0x170] =	vst v35;
	v35 =	vld.idx.msk [tilespmem:v1+s16+$0x0], $0xffff  }
0x13f: {  	[tilespmem:s30+$0x300] =	vst v31;
	v31 =	vld.idx.msk [tilespmem:v0+s16+$0x0], $0xffff  }
0x140: {  	v30 =	vld.idx.msk [tilespmem:v30+s17+$0x0], $0xffff;
	[tilespmem:s30+$0x310] =	vst v36  }
0x141: {  	v23 =	vld.idx.msk [tilespmem:v23+s17+$0x0], $0xffff;
	[tilespmem:s30+$0x320] =	vst v32  }
0x142: {  	v26 =	vld.idx.msk [tilespmem:v26+s17+$0x0], $0xffff;
	[tilespmem:s30+$0x330] =	vst v33  }
0x143: {  	v27 =	vld.idx.msk [tilespmem:v27+s17+$0x0], $0xffff;
	[tilespmem:s30+$0x340] =	vst v34  }
0x144: {  	v28 =	vld.idx.msk [tilespmem:v28+s17+$0x0], $0xffff;
	[tilespmem:s30+$0x350] =	vst v35  }
0x145: {  	v29 =	vld.idx.msk [tilespmem:v29+s17+$0x0], $0xffff;
	[tilespmem:s30+$0x360] =	vst v31  }
0x146: {  	[tilespmem:s30+$0xFFFFFD80] =	vst v30;
	v24 =	vld.idx.msk [tilespmem:v24+s17+$0x0], $0xffff  }
0x147: {  	[tilespmem:s30+$0xFFFFFD90] =	vst v23;
	v21 =	vld.idx.msk [tilespmem:v21+s17+$0x0], $0xffff  }
0x148: {  	[tilespmem:s30+$0xFFFFFDA0] =	vst v26;
	v23 =	vld.idx.msk [tilespmem:v25+s17+$0x0], $0xffff  }
0x149: {  	[tilespmem:s30+$0xFFFFFDB0] =	vst v27;
	v22 =	vld.idx.msk [tilespmem:v22+s17+$0x0], $0xffff  }
0x14a: {  	[tilespmem:s30+$0xFFFFFDC0] =	vst v28;
	v19 =	vld.idx.msk [tilespmem:v19+s17+$0x0], $0xffff  }
0x14b: {  	[tilespmem:s30+$0xFFFFFDD0] =	vst v29;
	v17 =	vld.idx.msk [tilespmem:v17+s17+$0x0], $0xffff  }
0x14c: {  	[tilespmem:s30+$0xFFFFFDE0] =	vst v24;
	v14 =	vld.idx.msk [tilespmem:v14+s17+$0x0], $0xffff  }
0x14d: {  	[tilespmem:s30+$0xFFFFFDF0] =	vst v21;
	v15 =	vld.idx.msk [tilespmem:v15+s17+$0x0], $0xffff  }
0x14e: {  	[tilespmem:s30+$0xFFFFFF80] =	vst v23;
	v20 =	vld.idx.msk [tilespmem:v20+s17+$0x0], $0xffff  }
0x14f: {  	[tilespmem:s30+$0xFFFFFF90] =	vst v22;
	v18 =	vld.idx.msk [tilespmem:v18+s17+$0x0], $0xffff  }
0x150: {  	[tilespmem:s30+$0xFFFFFFA0] =	vst v19;
	v16 =	vld.idx.msk [tilespmem:v16+s17+$0x0], $0xffff  }
0x151: {  	[tilespmem:s30+$0xFFFFFFB0] =	vst v17;
	v12 =	vld.idx.msk [tilespmem:v12+s17+$0x0], $0xffff  }
0x152: {  	[tilespmem:s30+$0xFFFFFFC0] =	vst v14;
	v10 =	vld.idx.msk [tilespmem:v10+s17+$0x0], $0xffff  }
0x153: {  	[tilespmem:s30+$0xFFFFFFD0] =	vst v15;
	v8 =	vld.idx.msk [tilespmem:v8+s17+$0x0], $0xffff  }
0x154: {  	[tilespmem:s30+$0xFFFFFFE0] =	vst v20;
	v13 =	vld.idx.msk [tilespmem:v13+s17+$0x0], $0xffff  }
0x155: {  	[tilespmem:s30+$0xFFFFFFF0] =	vst v18;
	v11 =	vld.idx.msk [tilespmem:v11+s17+$0x0], $0xffff  }
0x156: {  	[tilespmem:s30+$0x180] =	vst v16;
	v9 =	vld.idx.msk [tilespmem:v9+s17+$0x0], $0xffff  }
0x157: {  	[tilespmem:s30+$0x190] =	vst v12;
	v12 =	vld.idx.msk [tilespmem:v6+s17+$0x0], $0xffff  }
0x158: {  	[tilespmem:s30+$0x1A0] =	vst v10;
	v10 =	vld.idx.msk [tilespmem:v4+s17+$0x0], $0xffff  }
0x159: {  	[tilespmem:s30+$0x1B0] =	vst v8;
	v8 =	vld.idx.msk [tilespmem:v2+s17+$0x0], $0xffff  }
.Ltmp0:
0x15a: {  	[tilespmem:s30+$0x1C0] =	vst v13;
	v6 =	vld.idx.msk [tilespmem:v7+s17+$0x0], $0xffff;
	(pc) =	sbr.rel @p1 .LBB2_3-.Ltmp0, $4  }
0x15b: {  	[tilespmem:s30+$0x1D0] =	vst v11;
	v4 =	vld.idx.msk [tilespmem:v5+s17+$0x0], $0xffff  }
0x15c: {  	[tilespmem:s30+$0x1E0] =	vst v9;
	v2 =	vld.idx.msk [tilespmem:v3+s17+$0x0], $0xffff  }
0x15d: {  	[tilespmem:s30+$0x1F0] =	vst v12;
	v1 =	vld.idx.msk [tilespmem:v1+s17+$0x0], $0xffff  }
0x15e: {  	s31 =	sadd.s32 $0x100, s31;
	[tilespmem:s30+$0x380] =	vst v10;
	v0 =	vld.idx.msk [tilespmem:v0+s17+$0x0], $0xffff  }
0x15f: {  	[tilespmem:s30+$0x390] =	vst v8  }
0x160: {  	[tilespmem:s30+$0x3A0] =	vst v6;
	p1 =	sne.s32 s26, $0x18  }
.Ltmp1:
0x161: {  	s28 =	sshll.u32 s26, $0x13;
	[tilespmem:s30+$0x3B0] =	vst v4;
	(pc) =	sbr.rel @p1 .LBB2_6-.Ltmp1, $4  }
0x162: {  	s31 =	sor.u32 s7, s28;
	[tilespmem:s30+$0x3C0] =	vst v2  }
0x163: {  	s31 =	sshrl.u32 s31, $0x3;
	[tilespmem:s30+$0x3D0] =	vst v1  }
0x164: {  	s31 =	sadd.s32 s2, s31;
	[tilespmem:s30+$0x3E0] =	vst v0  }
0x165: {  	[hbm4b:s31+s18] =	stream.strided.scatter [tilespmem:s20], [sflag:$0x3], $0x2000, s19, s18, $0x38;
	[tilespmem:$0x5080] =	vst v63  }
.Ltmp2:
0x166: {  	(pc) =	sbr.rel .LBB2_7-.Ltmp2, $4  }
0x167: {  	_ = 	snop  }
0x168: {  	_ =	swait.ge [sflag:s21], $0x800  }
0x169: {  	[sflag:s21] =	ssyncset.done $0x0  }
0x16a: {  	[sflag:s21] =	ssyncadd.s32 $0xFFFFF800  }
.LBB2_6:
.Ltmp3:
0x16b: {  	s29 =	sadd.s32 s29, s8;
	(pc) =	sbr.rel @p0 .LBB2_8-.Ltmp3, $4  }
0x16c: {  	[tilespmem:s3], [sflag:$0x1] =	stream.linear.gather [hbm4b:s29+s3], $0x800, $0x38;
	[tilespmem:$0x5080] =	vst v63  }
0x16d: {  	_ =	swait.ge [sflag:s21], $0x800  }
0x16e: {  	[sflag:s21] =	ssyncset.done $0x0  }
0x16f: {  	[sflag:s21] =	ssyncadd.s32 $0xFFFFF800  }
.LBB2_7:
0x170: {  	_ =	swait.ge [sflag:s22], $0x2000  }
0x171: {  	[sflag:s22] =	ssyncset.done $0x0  }
0x172: {  	[sflag:s22] =	ssyncadd.s32 $0xFFFFE000  }
.LBB2_8:
0x173: {  	s30 =	simm.s32 $0xCF0  }
0x174: {  	v0 =	vld [tilespmem:s30+$0x0]  }
0x175: {  	v29 =	vld [tilespmem:s30+$0xFFFFFB20]  }
0x176: {  	v28 =	vld [tilespmem:s30+$0xFFFFFB30]  }
0x177: {  	v27 =	vld [tilespmem:s30+$0xFFFFFB40]  }
0x178: {  	v26 =	vld [tilespmem:s30+$0xFFFFFB50]  }
0x179: {  	v25 =	vld [tilespmem:s30+$0xFFFFFB60]  }
0x17a: {  	v24 =	vld [tilespmem:s30+$0xFFFFFB70]  }
0x17b: {  	v22 =	vld [tilespmem:s30+$0xFFFFFB80]  }
0x17c: {  	v23 =	vld [tilespmem:s30+$0xFFFFFF10]  }
0x17d: {  	v21 =	vld [tilespmem:s30+$0xFFFFFF20]  }
0x17e: {  	v20 =	vld [tilespmem:s30+$0xFFFFFF30]  }
0x17f: {  	v17 =	vld [tilespmem:s30+$0xFFFFFF40]  }
0x180: {  	v18 =	vld [tilespmem:s30+$0xFFFFFF50]  }
0x181: {  	v15 =	vld [tilespmem:s30+$0xFFFFFF60]  }
0x182: {  	v19 =	vld [tilespmem:s30+$0xFFFFFF70]  }
0x183: {  	v16 =	vld [tilespmem:s30+$0xFFFFFF80]  }
0x184: {  	v14 =	vld [tilespmem:s30+$0xFFFFFB90]  }
0x185: {  	v13 =	vld [tilespmem:s30+$0xFFFFFBA0]  }
0x186: {  	v11 =	vld [tilespmem:s30+$0xFFFFFBB0]  }
0x187: {  	v9 =	vld [tilespmem:s30+$0xFFFFFBC0]  }
0x188: {  	v12 =	vld [tilespmem:s30+$0xFFFFFBD0]  }
0x189: {  	v10 =	vld [tilespmem:s30+$0xFFFFFBE0]  }
0x18a: {  	v8 =	vld [tilespmem:s30+$0xFFFFFBF0]  }
0x18b: {  	v7 =	vld [tilespmem:s30+$0xFFFFFC00]  }
0x18c: {  	v5 =	vld [tilespmem:s30+$0xFFFFFF90]  }
0x18d: {  	v3 =	vld [tilespmem:s30+$0xFFFFFFA0]  }
0x18e: {  	v6 =	vld [tilespmem:s30+$0xFFFFFFB0]  }
0x18f: {  	v4 =	vld [tilespmem:s30+$0xFFFFFFC0]  }
0x190: {  	v2 =	vld [tilespmem:s30+$0xFFFFFFD0]  }
0x191: {  	v30 =	vld [tilespmem:s30+$0xFFFFFB10]  }
0x192: {  	v1 =	vld.idx.msk [tilespmem:v0+s11+$0x0], $0xffff  }
0x193: {  	v32 =	vld.idx.msk [tilespmem:v29+s11+$0x0], $0xffff  }
0x194: {  	v33 =	vld.idx.msk [tilespmem:v28+s11+$0x0], $0xffff  }
0x195: {  	v34 =	vld.idx.msk [tilespmem:v27+s11+$0x0], $0xffff  }
0x196: {  	v35 =	vld.idx.msk [tilespmem:v26+s11+$0x0], $0xffff  }
0x197: {  	v36 =	vld.idx.msk [tilespmem:v25+s11+$0x0], $0xffff  }
0x198: {  	v50 =	vld.idx.msk [tilespmem:v24+s11+$0x0], $0xffff  }
0x199: {  	s29 =	simm.s32 $0x37F0;
	v51 =	vld.idx.msk [tilespmem:v22+s11+$0x0], $0xffff  }
0x19a: {  	v37 =	vld.idx.msk [tilespmem:v30+s11+$0x0], $0xffff;
	[tilespmem:s29+$0xFFFFFE80] =	vst v1  }
0x19b: {  	v52 =	vld.idx.msk [tilespmem:v23+s11+$0x0], $0xffff;
	[tilespmem:s29+$0xFFFFF820] =	vst v32  }
0x19c: {  	v53 =	vld.idx.msk [tilespmem:v21+s11+$0x0], $0xffff;
	[tilespmem:s29+$0xFFFFF830] =	vst v33  }
0x19d: {  	v54 =	vld.idx.msk [tilespmem:v20+s11+$0x0], $0xffff;
	[tilespmem:s29+$0xFFFFF840] =	vst v34  }
0x19e: {  	v55 =	vld.idx.msk [tilespmem:v17+s11+$0x0], $0xffff;
	[tilespmem:s29+$0xFFFFF850] =	vst v35  }
0x19f: {  	v56 =	vld.idx.msk [tilespmem:v18+s11+$0x0], $0xffff;
	[tilespmem:s29+$0xFFFFF860] =	vst v36  }
0x1a0: {  	v57 =	vld.idx.msk [tilespmem:v15+s11+$0x0], $0xffff;
	[tilespmem:s29+$0xFFFFF870] =	vst v50  }
0x1a1: {  	v58 =	vld.idx.msk [tilespmem:v19+s11+$0x0], $0xffff;
	[tilespmem:s29+$0xFFFFF880] =	vst v51  }
0x1a2: {  	v59 =	vld.idx.msk [tilespmem:v16+s11+$0x0], $0xffff;
	[tilespmem:s29+$0xFFFFF810] =	vst v37  }
0x1a3: {  	v60 =	vld.idx.msk [tilespmem:v14+s11+$0x0], $0xffff;
	[tilespmem:s29+$0xFFFFFA10] =	vst v52  }
0x1a4: {  	v61 =	vld.idx.msk [tilespmem:v13+s11+$0x0], $0xffff;
	[tilespmem:s29+$0xFFFFFA20] =	vst v53  }
0x1a5: {  	v62 =	vld.idx.msk [tilespmem:v11+s11+$0x0], $0xffff;
	[tilespmem:s29+$0xFFFFFA30] =	vst v54  }
0x1a6: {  	v63 =	vld.idx.msk [tilespmem:v9+s11+$0x0], $0xffff;
	[tilespmem:s29+$0xFFFFFA40] =	vst v55  }
0x1a7: {  	v40 =	vld.idx.msk [tilespmem:v12+s11+$0x0], $0xffff;
	[tilespmem:s29+$0xFFFFFA50] =	vst v56  }
0x1a8: {  	v41 =	vld.idx.msk [tilespmem:v10+s11+$0x0], $0xffff;
	[tilespmem:s29+$0xFFFFFA60] =	vst v57  }
0x1a9: {  	v42 =	vld.idx.msk [tilespmem:v8+s11+$0x0], $0xffff;
	[tilespmem:s29+$0xFFFFFA70] =	vst v58  }
0x1aa: {  	v43 =	vld.idx.msk [tilespmem:v7+s11+$0x0], $0xffff;
	[tilespmem:s29+$0xFFFFFA80] =	vst v59  }
0x1ab: {  	v44 =	vld.idx.msk [tilespmem:v5+s11+$0x0], $0xffff;
	[tilespmem:s29+$0xFFFFFC10] =	vst v60  }
0x1ac: {  	v45 =	vld.idx.msk [tilespmem:v3+s11+$0x0], $0xffff;
	[tilespmem:s29+$0xFFFFFC20] =	vst v61  }
0x1ad: {  	v46 =	vld.idx.msk [tilespmem:v6+s11+$0x0], $0xffff;
	[tilespmem:s29+$0xFFFFFC30] =	vst v62  }
0x1ae: {  	v47 =	vld.idx.msk [tilespmem:v4+s11+$0x0], $0xffff;
	[tilespmem:s29+$0xFFFFFC40] =	vst v63  }
0x1af: {  	v48 =	vld.idx.msk [tilespmem:v2+s11+$0x0], $0xffff;
	[tilespmem:s29+$0xFFFFFC50] =	vst v40  }
0x1b0: {  	[tilespmem:s29+$0xFFFFFC60] =	vst v41;
	v1 =	vld.idx.msk [tilespmem:v0+s15+$0x0], $0xffff  }
0x1b1: {  	[tilespmem:s29+$0xFFFFFC70] =	vst v42;
	v37 =	vld.idx.msk [tilespmem:v30+s15+$0x0], $0xffff  }
0x1b2: {  	[tilespmem:s29+$0xFFFFFC80] =	vst v43;
	v51 =	vld.idx.msk [tilespmem:v29+s15+$0x0], $0xffff  }
0x1b3: {  	[tilespmem:s29+$0xFFFFFE10] =	vst v44;
	v52 =	vld.idx.msk [tilespmem:v28+s15+$0x0], $0xffff  }
0x1b4: {  	[tilespmem:s29+$0xFFFFFE20] =	vst v45;
	v53 =	vld.idx.msk [tilespmem:v27+s15+$0x0], $0xffff  }
0x1b5: {  	[tilespmem:s29+$0xFFFFFE30] =	vst v46;
	v54 =	vld.idx.msk [tilespmem:v26+s15+$0x0], $0xffff  }
0x1b6: {  	[tilespmem:s29+$0xFFFFFE40] =	vst v47;
	v55 =	vld.idx.msk [tilespmem:v25+s15+$0x0], $0xffff  }
0x1b7: {  	[tilespmem:s29+$0xFFFFFE50] =	vst v48;
	v56 =	vld.idx.msk [tilespmem:v24+s15+$0x0], $0xffff  }
0x1b8: {  	v57 =	vld.idx.msk [tilespmem:v22+s15+$0x0], $0xffff;
	[tilespmem:s29+$0xFFFFFF00] =	vst v1  }
0x1b9: {  	v58 =	vld.idx.msk [tilespmem:v23+s15+$0x0], $0xffff;
	[tilespmem:s29+$0xFFFFF890] =	vst v37  }
0x1ba: {  	v59 =	vld.idx.msk [tilespmem:v21+s15+$0x0], $0xffff;
	[tilespmem:s29+$0xFFFFF8A0] =	vst v51  }
0x1bb: {  	v60 =	vld.idx.msk [tilespmem:v20+s15+$0x0], $0xffff;
	[tilespmem:s29+$0xFFFFF8B0] =	vst v52  }
0x1bc: {  	v61 =	vld.idx.msk [tilespmem:v17+s15+$0x0], $0xffff;
	[tilespmem:s29+$0xFFFFF8C0] =	vst v53  }
0x1bd: {  	v62 =	vld.idx.msk [tilespmem:v18+s15+$0x0], $0xffff;
	[tilespmem:s29+$0xFFFFF8D0] =	vst v54  }
0x1be: {  	v63 =	vld.idx.msk [tilespmem:v15+s15+$0x0], $0xffff;
	[tilespmem:s29+$0xFFFFF8E0] =	vst v55  }
0x1bf: {  	v40 =	vld.idx.msk [tilespmem:v19+s15+$0x0], $0xffff;
	[tilespmem:s29+$0xFFFFF8F0] =	vst v56  }
0x1c0: {  	v41 =	vld.idx.msk [tilespmem:v16+s15+$0x0], $0xffff;
	[tilespmem:s29+$0xFFFFF900] =	vst v57  }
0x1c1: {  	v42 =	vld.idx.msk [tilespmem:v14+s15+$0x0], $0xffff;
	[tilespmem:s29+$0xFFFFFA90] =	vst v58  }
0x1c2: {  	v43 =	vld.idx.msk [tilespmem:v13+s15+$0x0], $0xffff;
	[tilespmem:s29+$0xFFFFFAA0] =	vst v59  }
0x1c3: {  	v44 =	vld.idx.msk [tilespmem:v11+s15+$0x0], $0xffff;
	[tilespmem:s29+$0xFFFFFAB0] =	vst v60  }
0x1c4: {  	v45 =	vld.idx.msk [tilespmem:v9+s15+$0x0], $0xffff;
	[tilespmem:s29+$0xFFFFFAC0] =	vst v61  }
0x1c5: {  	v46 =	vld.idx.msk [tilespmem:v12+s15+$0x0], $0xffff;
	[tilespmem:s29+$0xFFFFFAD0] =	vst v62  }
0x1c6: {  	v47 =	vld.idx.msk [tilespmem:v10+s15+$0x0], $0xffff;
	[tilespmem:s29+$0xFFFFFAE0] =	vst v63  }
0x1c7: {  	v48 =	vld.idx.msk [tilespmem:v8+s15+$0x0], $0xffff;
	[tilespmem:s29+$0xFFFFFAF0] =	vst v40  }
0x1c8: {  	[tilespmem:s29+$0xFFFFFB00] =	vst v41;
	v51 =	vld.idx.msk [tilespmem:v3+s15+$0x0], $0xffff  }
0x1c9: {  	[tilespmem:s29+$0xFFFFFC90] =	vst v42;
	v52 =	vld.idx.msk [tilespmem:v6+s15+$0x0], $0xffff  }
0x1ca: {  	[tilespmem:s29+$0xFFFFFCA0] =	vst v43;
	v53 =	vld.idx.msk [tilespmem:v4+s15+$0x0], $0xffff  }
0x1cb: {  	[tilespmem:s29+$0xFFFFFCB0] =	vst v44;
	v54 =	vld.idx.msk [tilespmem:v2+s15+$0x0], $0xffff  }
0x1cc: {  	[tilespmem:s29+$0xFFFFFCC0] =	vst v45;
	v1 =	vld.idx.msk [tilespmem:v0+s16+$0x0], $0xffff  }
0x1cd: {  	[tilespmem:s29+$0xFFFFFCD0] =	vst v46;
	v37 =	vld.idx.msk [tilespmem:v30+s16+$0x0], $0xffff  }
0x1ce: {  	[tilespmem:s29+$0xFFFFFCE0] =	vst v47;
	v57 =	vld.idx.msk [tilespmem:v29+s16+$0x0], $0xffff  }
0x1cf: {  	[tilespmem:s29+$0xFFFFFCF0] =	vst v48;
	v58 =	vld.idx.msk [tilespmem:v28+s16+$0x0], $0xffff  }
0x1d0: {  	v59 =	vld.idx.msk [tilespmem:v27+s16+$0x0], $0xffff;
	[tilespmem:s29+$0xFFFFFEA0] =	vst v51  }
0x1d1: {  	v60 =	vld.idx.msk [tilespmem:v26+s16+$0x0], $0xffff;
	[tilespmem:s29+$0xFFFFFEB0] =	vst v52  }
0x1d2: {  	v61 =	vld.idx.msk [tilespmem:v25+s16+$0x0], $0xffff;
	[tilespmem:s29+$0xFFFFFEC0] =	vst v53  }
0x1d3: {  	v62 =	vld.idx.msk [tilespmem:v24+s16+$0x0], $0xffff;
	[tilespmem:s29+$0xFFFFFED0] =	vst v54  }
0x1d4: {  	v63 =	vld.idx.msk [tilespmem:v22+s16+$0x0], $0xffff;
	[tilespmem:s29+$0xFFFFFF80] =	vst v1  }
0x1d5: {  	v40 =	vld.idx.msk [tilespmem:v23+s16+$0x0], $0xffff;
	[tilespmem:s29+$0xFFFFF910] =	vst v37  }
0x1d6: {  	v41 =	vld.idx.msk [tilespmem:v21+s16+$0x0], $0xffff;
	[tilespmem:s29+$0xFFFFF920] =	vst v57  }
0x1d7: {  	v42 =	vld.idx.msk [tilespmem:v20+s16+$0x0], $0xffff;
	[tilespmem:s29+$0xFFFFF930] =	vst v58  }
0x1d8: {  	v43 =	vld.idx.msk [tilespmem:v17+s16+$0x0], $0xffff;
	[tilespmem:s29+$0xFFFFF940] =	vst v59  }
0x1d9: {  	v44 =	vld.idx.msk [tilespmem:v18+s16+$0x0], $0xffff;
	[tilespmem:s29+$0xFFFFF950] =	vst v60  }
0x1da: {  	v45 =	vld.idx.msk [tilespmem:v15+s16+$0x0], $0xffff;
	[tilespmem:s29+$0xFFFFF960] =	vst v61  }
0x1db: {  	v46 =	vld.idx.msk [tilespmem:v19+s16+$0x0], $0xffff;
	[tilespmem:s29+$0xFFFFF970] =	vst v62  }
0x1dc: {  	v47 =	vld.idx.msk [tilespmem:v16+s16+$0x0], $0xffff;
	[tilespmem:s29+$0xFFFFF980] =	vst v63  }
0x1dd: {  	v48 =	vld.idx.msk [tilespmem:v14+s16+$0x0], $0xffff;
	[tilespmem:s29+$0xFFFFFB10] =	vst v40  }
0x1de: {  	v51 =	vld.idx.msk [tilespmem:v9+s16+$0x0], $0xffff;
	[tilespmem:s29+$0xFFFFFB20] =	vst v41  }
0x1df: {  	v52 =	vld.idx.msk [tilespmem:v12+s16+$0x0], $0xffff;
	[tilespmem:s29+$0xFFFFFB30] =	vst v42  }
0x1e0: {  	v53 =	vld.idx.msk [tilespmem:v10+s16+$0x0], $0xffff;
	[tilespmem:s29+$0xFFFFFB40] =	vst v43  }
0x1e1: {  	v54 =	vld.idx.msk [tilespmem:v8+s16+$0x0], $0xffff;
	[tilespmem:s29+$0xFFFFFB50] =	vst v44  }
0x1e2: {  	v1 =	vld [tilespmem:s30+$0xFFFFFFE0];
	[tilespmem:s29+$0xFFFFFB60] =	vst v45  }
0x1e3: {  	[tilespmem:s29+$0xFFFFFB70] =	vst v46;
	v57 =	vld.idx.msk [tilespmem:v3+s16+$0x0], $0xffff  }
0x1e4: {  	[tilespmem:s29+$0xFFFFFB80] =	vst v47;
	v58 =	vld.idx.msk [tilespmem:v6+s16+$0x0], $0xffff  }
0x1e5: {  	[tilespmem:s29+$0xFFFFFD10] =	vst v48;
	v59 =	vld.idx.msk [tilespmem:v4+s16+$0x0], $0xffff  }
0x1e6: {  	v60 =	vld.idx.msk [tilespmem:v2+s16+$0x0], $0xffff;
	[tilespmem:s29+$0xFFFFFD40] =	vst v51  }
0x1e7: {  	v31 =	vld.idx.msk [tilespmem:v0+s17+$0x0], $0xffff;
	[tilespmem:s29+$0xFFFFFD50] =	vst v52  }
0x1e8: {  	v0 =	vld [tilespmem:s30+$0xFFFFFFF0];
	[tilespmem:s29+$0xFFFFFD60] =	vst v53  }
0x1e9: {  	v30 =	vld.idx.msk [tilespmem:v30+s17+$0x0], $0xffff;
	[tilespmem:s29+$0xFFFFFD70] =	vst v54  }
0x1ea: {  	v29 =	vld.idx.msk [tilespmem:v29+s17+$0x0], $0xffff;
	[tilespmem:s29+$0xFFFFFF20] =	vst v57  }
0x1eb: {  	v28 =	vld.idx.msk [tilespmem:v28+s17+$0x0], $0xffff;
	[tilespmem:s29+$0xFFFFFF30] =	vst v58  }
0x1ec: {  	v27 =	vld.idx.msk [tilespmem:v27+s17+$0x0], $0xffff;
	[tilespmem:s29+$0xFFFFFF40] =	vst v59  }
0x1ed: {  	v26 =	vld.idx.msk [tilespmem:v26+s17+$0x0], $0xffff;
	[tilespmem:s29+$0xFFFFFF50] =	vst v60  }
0x1ee: {  	v25 =	vld.idx.msk [tilespmem:v25+s17+$0x0], $0xffff;
	[tilespmem:s29+$0x0] =	vst v31  }
0x1ef: {  	v24 =	vld.idx.msk [tilespmem:v24+s17+$0x0], $0xffff;
	[tilespmem:s29+$0xFFFFF990] =	vst v30  }
0x1f0: {  	v22 =	vld.idx.msk [tilespmem:v22+s17+$0x0], $0xffff;
	[tilespmem:s29+$0xFFFFF9A0] =	vst v29  }
0x1f1: {  	v23 =	vld.idx.msk [tilespmem:v23+s17+$0x0], $0xffff;
	[tilespmem:s29+$0xFFFFF9B0] =	vst v28  }
0x1f2: {  	v21 =	vld.idx.msk [tilespmem:v21+s17+$0x0], $0xffff;
	[tilespmem:s29+$0xFFFFF9C0] =	vst v27  }
0x1f3: {  	v20 =	vld.idx.msk [tilespmem:v20+s17+$0x0], $0xffff;
	[tilespmem:s29+$0xFFFFF9D0] =	vst v26  }
0x1f4: {  	v17 =	vld.idx.msk [tilespmem:v17+s17+$0x0], $0xffff;
	[tilespmem:s29+$0xFFFFF9E0] =	vst v25  }
0x1f5: {  	v18 =	vld.idx.msk [tilespmem:v18+s17+$0x0], $0xffff;
	[tilespmem:s29+$0xFFFFF9F0] =	vst v24  }
0x1f6: {  	v15 =	vld.idx.msk [tilespmem:v15+s17+$0x0], $0xffff;
	[tilespmem:s29+$0xFFFFFA00] =	vst v22  }
0x1f7: {  	v19 =	vld.idx.msk [tilespmem:v19+s17+$0x0], $0xffff;
	[tilespmem:s29+$0xFFFFFB90] =	vst v23  }
0x1f8: {  	v16 =	vld.idx.msk [tilespmem:v16+s17+$0x0], $0xffff;
	[tilespmem:s29+$0xFFFFFBA0] =	vst v21  }
0x1f9: {  	v14 =	vld.idx.msk [tilespmem:v14+s17+$0x0], $0xffff;
	[tilespmem:s29+$0xFFFFFBB0] =	vst v20  }
0x1fa: {  	v9 =	vld.idx.msk [tilespmem:v9+s17+$0x0], $0xffff;
	[tilespmem:s29+$0xFFFFFBC0] =	vst v17  }
0x1fb: {  	[tilespmem:s29+$0xFFFFFBD0] =	vst v18;
	v49 =	vld.idx.msk [tilespmem:v1+s11+$0x0], $0xffff  }
0x1fc: {  	[tilespmem:s29+$0xFFFFFBE0] =	vst v15;
	v50 =	vld.idx.msk [tilespmem:v0+s11+$0x0], $0xffff  }
0x1fd: {  	v12 =	vld.idx.msk [tilespmem:v12+s17+$0x0], $0xffff;
	[tilespmem:s29+$0xFFFFFBF0] =	vst v19  }
0x1fe: {  	v10 =	vld.idx.msk [tilespmem:v10+s17+$0x0], $0xffff;
	[tilespmem:s29+$0xFFFFFC00] =	vst v16  }
0x1ff: {  	v63 =	vld.idx.msk [tilespmem:v8+s17+$0x0], $0xffff;
	[tilespmem:s29+$0xFFFFFD90] =	vst v14  }
0x200: {  	[tilespmem:s29+$0xFFFFFE60] =	vst v49;
	v49 =	vld.idx.msk [tilespmem:v7+s15+$0x0], $0xffff  }
0x201: {  	[tilespmem:s29+$0xFFFFFE70] =	vst v50;
	v50 =	vld.idx.msk [tilespmem:v5+s15+$0x0], $0xffff  }
0x202: {  	[tilespmem:s29+$0xFFFFFDC0] =	vst v9;
	v55 =	vld.idx.msk [tilespmem:v1+s15+$0x0], $0xffff  }
0x203: {  	[tilespmem:s29+$0xFFFFFDD0] =	vst v12;
	v56 =	vld.idx.msk [tilespmem:v0+s15+$0x0], $0xffff  }
0x204: {  	v8 =	vld.idx.msk [tilespmem:v3+s17+$0x0], $0xffff;
	[tilespmem:s29+$0xFFFFFDE0] =	vst v10  }
0x205: {  	[tilespmem:s29+$0xFFFFFD00] =	vst v49;
	v49 =	vld.idx.msk [tilespmem:v13+s16+$0x0], $0xffff  }
0x206: {  	[tilespmem:s29+$0xFFFFFE90] =	vst v50;
	v50 =	vld.idx.msk [tilespmem:v11+s16+$0x0], $0xffff  }
0x207: {  	[tilespmem:s29+$0xFFFFFEE0] =	vst v55;
	v55 =	vld.idx.msk [tilespmem:v7+s16+$0x0], $0xffff  }
0x208: {  	[tilespmem:s29+$0xFFFFFEF0] =	vst v56;
	v56 =	vld.idx.msk [tilespmem:v5+s16+$0x0], $0xffff  }
0x209: {  	[tilespmem:s29+$0xFFFFFDF0] =	vst v63;
	v61 =	vld.idx.msk [tilespmem:v1+s16+$0x0], $0xffff  }
0x20a: {  	v62 =	vld.idx.msk [tilespmem:v0+s16+$0x0], $0xffff;
	[tilespmem:s29+$0xFFFFFD20] =	vst v49  }
0x20b: {  	[tilespmem:s29+$0xFFFFFD30] =	vst v50;
	v13 =	vld.idx.msk [tilespmem:v13+s17+$0x0], $0xffff  }
0x20c: {  	[tilespmem:s29+$0xFFFFFD80] =	vst v55;
	v11 =	vld.idx.msk [tilespmem:v11+s17+$0x0], $0xffff  }
0x20d: {  	[tilespmem:s29+$0xFFFFFF10] =	vst v56;
	v7 =	vld.idx.msk [tilespmem:v7+s17+$0x0], $0xffff  }
0x20e: {  	[tilespmem:s29+$0xFFFFFF60] =	vst v61;
	v5 =	vld.idx.msk [tilespmem:v5+s17+$0x0], $0xffff  }
0x20f: {  	v6 =	vld.idx.msk [tilespmem:v6+s17+$0x0], $0xffff;
	[tilespmem:s29+$0xFFFFFF70] =	vst v62  }
0x210: {  	v4 =	vld.idx.msk [tilespmem:v4+s17+$0x0], $0xffff;
	[tilespmem:s29+$0xFFFFFDA0] =	vst v13  }
0x211: {  	v2 =	vld.idx.msk [tilespmem:v2+s17+$0x0], $0xffff;
	[tilespmem:s29+$0xFFFFFDB0] =	vst v11  }
0x212: {  	v1 =	vld.idx.msk [tilespmem:v1+s17+$0x0], $0xffff;
	[tilespmem:s29+$0xFFFFFE00] =	vst v7  }
0x213: {  	s31 =	simm.s32 $0xDF0;
	s30 =	simm.s32 $0x0;
	v0 =	vld.idx.msk [tilespmem:v0+s17+$0x0], $0xffff;
	[tilespmem:s29+$0xFFFFFF90] =	vst v5  }
.LBB2_9:
0x214: {  	v3 =	vld [tilespmem:s31+$0x0];
	s30 =	sadd.s32 $0x20, s30;
	[tilespmem:s29+$0xFFFFFFA0] =	vst v8  }
0x215: {  	v23 =	vld [tilespmem:s31+$0xFFFFFB20];
	p0 =	slt.u32 s30, $0x60;
	[tilespmem:s29+$0xFFFFFFB0] =	vst v6  }
0x216: {  	v26 =	vld [tilespmem:s31+$0xFFFFFB30];
	[tilespmem:s29+$0xFFFFFFC0] =	vst v4  }
0x217: {  	v27 =	vld [tilespmem:s31+$0xFFFFFB40];
	[tilespmem:s29+$0xFFFFFFD0] =	vst v2  }
0x218: {  	v28 =	vld [tilespmem:s31+$0xFFFFFB50];
	[tilespmem:s29+$0xFFFFFFE0] =	vst v1  }
0x219: {  	v29 =	vld [tilespmem:s31+$0xFFFFFB60];
	[tilespmem:s29+$0xFFFFFFF0] =	vst v0  }
0x21a: {  	v24 =	vld [tilespmem:s31+$0xFFFFFB70]  }
0x21b: {  	v21 =	vld [tilespmem:s31+$0xFFFFFB80]  }
0x21c: {  	v0 =	vld.idx.msk [tilespmem:v3+s11+$0x0], $0xffff  }
0x21d: {  	v25 =	vld [tilespmem:s31+$0xFFFFFF10]  }
0x21e: {  	v22 =	vld [tilespmem:s31+$0xFFFFFF20]  }
0x21f: {  	v19 =	vld [tilespmem:s31+$0xFFFFFF30]  }
0x220: {  	v17 =	vld [tilespmem:s31+$0xFFFFFF40]  }
0x221: {  	s29 =	sadd.s32 $0x800, s29;
	v14 =	vld [tilespmem:s31+$0xFFFFFF50]  }
0x222: {  	v15 =	vld [tilespmem:s31+$0xFFFFFF60];
	[tilespmem:s29+$0xFFFFFE80] =	vst v0  }
0x223: {  	v0 =	vld.idx.msk [tilespmem:v3+s15+$0x0], $0xffff  }
0x224: {  	v20 =	vld [tilespmem:s31+$0xFFFFFF70]  }
0x225: {  	v18 =	vld [tilespmem:s31+$0xFFFFFF80]  }
0x226: {  	v16 =	vld [tilespmem:s31+$0xFFFFFB90]  }
0x227: {  	v12 =	vld [tilespmem:s31+$0xFFFFFBA0]  }
0x228: {  	v10 =	vld [tilespmem:s31+$0xFFFFFBB0]  }
0x229: {  	v8 =	vld [tilespmem:s31+$0xFFFFFBC0];
	[tilespmem:s29+$0xFFFFFF00] =	vst v0  }
0x22a: {  	v0 =	vld.idx.msk [tilespmem:v3+s16+$0x0], $0xffff  }
0x22b: {  	v13 =	vld [tilespmem:s31+$0xFFFFFBD0]  }
0x22c: {  	v11 =	vld [tilespmem:s31+$0xFFFFFBE0]  }
0x22d: {  	v9 =	vld [tilespmem:s31+$0xFFFFFBF0]  }
0x22e: {  	v6 =	vld [tilespmem:s31+$0xFFFFFC00]  }
0x22f: {  	v4 =	vld [tilespmem:s31+$0xFFFFFF90]  }
0x230: {  	v2 =	vld [tilespmem:s31+$0xFFFFFFA0];
	[tilespmem:s29+$0xFFFFFF80] =	vst v0  }
0x231: {  	v31 =	vld.idx.msk [tilespmem:v3+s17+$0x0], $0xffff  }
0x232: {  	v7 =	vld [tilespmem:s31+$0xFFFFFFB0]  }
0x233: {  	v5 =	vld [tilespmem:s31+$0xFFFFFFC0]  }
0x234: {  	v3 =	vld [tilespmem:s31+$0xFFFFFFD0]  }
0x235: {  	v1 =	vld [tilespmem:s31+$0xFFFFFFE0]  }
0x236: {  	v0 =	vld [tilespmem:s31+$0xFFFFFFF0]  }
0x237: {  	v30 =	vld [tilespmem:s31+$0xFFFFFB10];
	[tilespmem:s29+$0x0] =	vst v31  }
0x238: {  	v31 =	vld.idx.msk [tilespmem:v23+s11+$0x0], $0xffff  }
0x239: {  	v32 =	vld.idx.msk [tilespmem:v26+s11+$0x0], $0xffff  }
0x23a: {  	v33 =	vld.idx.msk [tilespmem:v27+s11+$0x0], $0xffff  }
0x23b: {  	v34 =	vld.idx.msk [tilespmem:v28+s11+$0x0], $0xffff  }
0x23c: {  	v35 =	vld.idx.msk [tilespmem:v29+s11+$0x0], $0xffff  }
0x23d: {  	v36 =	vld.idx.msk [tilespmem:v24+s11+$0x0], $0xffff  }
0x23e: {  	[tilespmem:s29+$0xFFFFF820] =	vst v31;
	v31 =	vld.idx.msk [tilespmem:v21+s11+$0x0], $0xffff  }
0x23f: {  	v37 =	vld.idx.msk [tilespmem:v30+s11+$0x0], $0xffff;
	[tilespmem:s29+$0xFFFFF830] =	vst v32  }
0x240: {  	[tilespmem:s29+$0xFFFFF840] =	vst v33;
	v32 =	vld.idx.msk [tilespmem:v25+s11+$0x0], $0xffff  }
0x241: {  	[tilespmem:s29+$0xFFFFF850] =	vst v34;
	v33 =	vld.idx.msk [tilespmem:v22+s11+$0x0], $0xffff  }
0x242: {  	[tilespmem:s29+$0xFFFFF860] =	vst v35;
	v34 =	vld.idx.msk [tilespmem:v19+s11+$0x0], $0xffff  }
0x243: {  	[tilespmem:s29+$0xFFFFF870] =	vst v36;
	v35 =	vld.idx.msk [tilespmem:v17+s11+$0x0], $0xffff  }
0x244: {  	[tilespmem:s29+$0xFFFFF880] =	vst v31;
	v31 =	vld.idx.msk [tilespmem:v14+s11+$0x0], $0xffff  }
0x245: {  	[tilespmem:s29+$0xFFFFF810] =	vst v37;
	v36 =	vld.idx.msk [tilespmem:v15+s11+$0x0], $0xffff  }
0x246: {  	[tilespmem:s29+$0xFFFFFA10] =	vst v32;
	v32 =	vld.idx.msk [tilespmem:v20+s11+$0x0], $0xffff  }
0x247: {  	[tilespmem:s29+$0xFFFFFA20] =	vst v33;
	v33 =	vld.idx.msk [tilespmem:v18+s11+$0x0], $0xffff  }
0x248: {  	[tilespmem:s29+$0xFFFFFA30] =	vst v34;
	v34 =	vld.idx.msk [tilespmem:v16+s11+$0x0], $0xffff  }
0x249: {  	[tilespmem:s29+$0xFFFFFA40] =	vst v35;
	v35 =	vld.idx.msk [tilespmem:v12+s11+$0x0], $0xffff  }
0x24a: {  	[tilespmem:s29+$0xFFFFFA50] =	vst v31;
	v31 =	vld.idx.msk [tilespmem:v10+s11+$0x0], $0xffff  }
0x24b: {  	[tilespmem:s29+$0xFFFFFA60] =	vst v36;
	v36 =	vld.idx.msk [tilespmem:v8+s11+$0x0], $0xffff  }
0x24c: {  	[tilespmem:s29+$0xFFFFFA70] =	vst v32;
	v32 =	vld.idx.msk [tilespmem:v13+s11+$0x0], $0xffff  }
0x24d: {  	[tilespmem:s29+$0xFFFFFA80] =	vst v33;
	v33 =	vld.idx.msk [tilespmem:v11+s11+$0x0], $0xffff  }
0x24e: {  	[tilespmem:s29+$0xFFFFFC10] =	vst v34;
	v34 =	vld.idx.msk [tilespmem:v9+s11+$0x0], $0xffff  }
0x24f: {  	[tilespmem:s29+$0xFFFFFC20] =	vst v35;
	v35 =	vld.idx.msk [tilespmem:v6+s11+$0x0], $0xffff  }
0x250: {  	[tilespmem:s29+$0xFFFFFC30] =	vst v31;
	v31 =	vld.idx.msk [tilespmem:v4+s11+$0x0], $0xffff  }
0x251: {  	[tilespmem:s29+$0xFFFFFC40] =	vst v36;
	v36 =	vld.idx.msk [tilespmem:v2+s11+$0x0], $0xffff  }
0x252: {  	[tilespmem:s29+$0xFFFFFC50] =	vst v32;
	v32 =	vld.idx.msk [tilespmem:v7+s11+$0x0], $0xffff  }
0x253: {  	[tilespmem:s29+$0xFFFFFC60] =	vst v33;
	v33 =	vld.idx.msk [tilespmem:v5+s11+$0x0], $0xffff  }
0x254: {  	[tilespmem:s29+$0xFFFFFC70] =	vst v34;
	v34 =	vld.idx.msk [tilespmem:v3+s11+$0x0], $0xffff  }
0x255: {  	[tilespmem:s29+$0xFFFFFC80] =	vst v35;
	v35 =	vld.idx.msk [tilespmem:v1+s11+$0x0], $0xffff  }
0x256: {  	[tilespmem:s29+$0xFFFFFE10] =	vst v31;
	v31 =	vld.idx.msk [tilespmem:v0+s11+$0x0], $0xffff  }
0x257: {  	v37 =	vld.idx.msk [tilespmem:v30+s15+$0x0], $0xffff;
	[tilespmem:s29+$0xFFFFFE20] =	vst v36  }
0x258: {  	v36 =	vld.idx.msk [tilespmem:v23+s15+$0x0], $0xffff;
	[tilespmem:s29+$0xFFFFFE30] =	vst v32  }
0x259: {  	v32 =	vld.idx.msk [tilespmem:v26+s15+$0x0], $0xffff;
	[tilespmem:s29+$0xFFFFFE40] =	vst v33  }
0x25a: {  	v33 =	vld.idx.msk [tilespmem:v27+s15+$0x0], $0xffff;
	[tilespmem:s29+$0xFFFFFE50] =	vst v34  }
0x25b: {  	v34 =	vld.idx.msk [tilespmem:v28+s15+$0x0], $0xffff;
	[tilespmem:s29+$0xFFFFFE60] =	vst v35  }
0x25c: {  	v35 =	vld.idx.msk [tilespmem:v29+s15+$0x0], $0xffff;
	[tilespmem:s29+$0xFFFFFE70] =	vst v31  }
0x25d: {  	[tilespmem:s29+$0xFFFFF890] =	vst v37;
	v31 =	vld.idx.msk [tilespmem:v24+s15+$0x0], $0xffff  }
0x25e: {  	[tilespmem:s29+$0xFFFFF8A0] =	vst v36;
	v36 =	vld.idx.msk [tilespmem:v21+s15+$0x0], $0xffff  }
0x25f: {  	[tilespmem:s29+$0xFFFFF8B0] =	vst v32;
	v32 =	vld.idx.msk [tilespmem:v25+s15+$0x0], $0xffff  }
0x260: {  	[tilespmem:s29+$0xFFFFF8C0] =	vst v33;
	v33 =	vld.idx.msk [tilespmem:v22+s15+$0x0], $0xffff  }
0x261: {  	[tilespmem:s29+$0xFFFFF8D0] =	vst v34;
	v34 =	vld.idx.msk [tilespmem:v19+s15+$0x0], $0xffff  }
0x262: {  	[tilespmem:s29+$0xFFFFF8E0] =	vst v35;
	v35 =	vld.idx.msk [tilespmem:v17+s15+$0x0], $0xffff  }
0x263: {  	[tilespmem:s29+$0xFFFFF8F0] =	vst v31;
	v31 =	vld.idx.msk [tilespmem:v14+s15+$0x0], $0xffff  }
0x264: {  	[tilespmem:s29+$0xFFFFF900] =	vst v36;
	v36 =	vld.idx.msk [tilespmem:v15+s15+$0x0], $0xffff  }
0x265: {  	[tilespmem:s29+$0xFFFFFA90] =	vst v32;
	v32 =	vld.idx.msk [tilespmem:v20+s15+$0x0], $0xffff  }
0x266: {  	[tilespmem:s29+$0xFFFFFAA0] =	vst v33;
	v33 =	vld.idx.msk [tilespmem:v18+s15+$0x0], $0xffff  }
0x267: {  	[tilespmem:s29+$0xFFFFFAB0] =	vst v34;
	v34 =	vld.idx.msk [tilespmem:v16+s15+$0x0], $0xffff  }
0x268: {  	[tilespmem:s29+$0xFFFFFAC0] =	vst v35;
	v35 =	vld.idx.msk [tilespmem:v12+s15+$0x0], $0xffff  }
0x269: {  	[tilespmem:s29+$0xFFFFFAD0] =	vst v31;
	v31 =	vld.idx.msk [tilespmem:v10+s15+$0x0], $0xffff  }
0x26a: {  	[tilespmem:s29+$0xFFFFFAE0] =	vst v36;
	v36 =	vld.idx.msk [tilespmem:v8+s15+$0x0], $0xffff  }
0x26b: {  	[tilespmem:s29+$0xFFFFFAF0] =	vst v32;
	v32 =	vld.idx.msk [tilespmem:v13+s15+$0x0], $0xffff  }
0x26c: {  	[tilespmem:s29+$0xFFFFFB00] =	vst v33;
	v33 =	vld.idx.msk [tilespmem:v11+s15+$0x0], $0xffff  }
0x26d: {  	[tilespmem:s29+$0xFFFFFC90] =	vst v34;
	v34 =	vld.idx.msk [tilespmem:v9+s15+$0x0], $0xffff  }
0x26e: {  	[tilespmem:s29+$0xFFFFFCA0] =	vst v35;
	v35 =	vld.idx.msk [tilespmem:v6+s15+$0x0], $0xffff  }
0x26f: {  	[tilespmem:s29+$0xFFFFFCB0] =	vst v31;
	v31 =	vld.idx.msk [tilespmem:v4+s15+$0x0], $0xffff  }
0x270: {  	[tilespmem:s29+$0xFFFFFCC0] =	vst v36;
	v36 =	vld.idx.msk [tilespmem:v2+s15+$0x0], $0xffff  }
0x271: {  	[tilespmem:s29+$0xFFFFFCD0] =	vst v32;
	v32 =	vld.idx.msk [tilespmem:v7+s15+$0x0], $0xffff  }
0x272: {  	[tilespmem:s29+$0xFFFFFCE0] =	vst v33;
	v33 =	vld.idx.msk [tilespmem:v5+s15+$0x0], $0xffff  }
0x273: {  	[tilespmem:s29+$0xFFFFFCF0] =	vst v34;
	v34 =	vld.idx.msk [tilespmem:v3+s15+$0x0], $0xffff  }
0x274: {  	[tilespmem:s29+$0xFFFFFD00] =	vst v35;
	v35 =	vld.idx.msk [tilespmem:v1+s15+$0x0], $0xffff  }
0x275: {  	[tilespmem:s29+$0xFFFFFE90] =	vst v31;
	v31 =	vld.idx.msk [tilespmem:v0+s15+$0x0], $0xffff  }
0x276: {  	v37 =	vld.idx.msk [tilespmem:v30+s16+$0x0], $0xffff;
	[tilespmem:s29+$0xFFFFFEA0] =	vst v36  }
0x277: {  	v36 =	vld.idx.msk [tilespmem:v23+s16+$0x0], $0xffff;
	[tilespmem:s29+$0xFFFFFEB0] =	vst v32  }
0x278: {  	v32 =	vld.idx.msk [tilespmem:v26+s16+$0x0], $0xffff;
	[tilespmem:s29+$0xFFFFFEC0] =	vst v33  }
0x279: {  	v33 =	vld.idx.msk [tilespmem:v27+s16+$0x0], $0xffff;
	[tilespmem:s29+$0xFFFFFED0] =	vst v34  }
0x27a: {  	v34 =	vld.idx.msk [tilespmem:v28+s16+$0x0], $0xffff;
	[tilespmem:s29+$0xFFFFFEE0] =	vst v35  }
0x27b: {  	v35 =	vld.idx.msk [tilespmem:v29+s16+$0x0], $0xffff;
	[tilespmem:s29+$0xFFFFFEF0] =	vst v31  }
0x27c: {  	[tilespmem:s29+$0xFFFFF910] =	vst v37;
	v31 =	vld.idx.msk [tilespmem:v24+s16+$0x0], $0xffff  }
0x27d: {  	[tilespmem:s29+$0xFFFFF920] =	vst v36;
	v36 =	vld.idx.msk [tilespmem:v21+s16+$0x0], $0xffff  }
0x27e: {  	[tilespmem:s29+$0xFFFFF930] =	vst v32;
	v32 =	vld.idx.msk [tilespmem:v25+s16+$0x0], $0xffff  }
0x27f: {  	[tilespmem:s29+$0xFFFFF940] =	vst v33;
	v33 =	vld.idx.msk [tilespmem:v22+s16+$0x0], $0xffff  }
0x280: {  	[tilespmem:s29+$0xFFFFF950] =	vst v34;
	v34 =	vld.idx.msk [tilespmem:v19+s16+$0x0], $0xffff  }
0x281: {  	[tilespmem:s29+$0xFFFFF960] =	vst v35;
	v35 =	vld.idx.msk [tilespmem:v17+s16+$0x0], $0xffff  }
0x282: {  	[tilespmem:s29+$0xFFFFF970] =	vst v31;
	v31 =	vld.idx.msk [tilespmem:v14+s16+$0x0], $0xffff  }
0x283: {  	[tilespmem:s29+$0xFFFFF980] =	vst v36;
	v36 =	vld.idx.msk [tilespmem:v15+s16+$0x0], $0xffff  }
0x284: {  	[tilespmem:s29+$0xFFFFFB10] =	vst v32;
	v32 =	vld.idx.msk [tilespmem:v20+s16+$0x0], $0xffff  }
0x285: {  	[tilespmem:s29+$0xFFFFFB20] =	vst v33;
	v33 =	vld.idx.msk [tilespmem:v18+s16+$0x0], $0xffff  }
0x286: {  	[tilespmem:s29+$0xFFFFFB30] =	vst v34;
	v34 =	vld.idx.msk [tilespmem:v16+s16+$0x0], $0xffff  }
0x287: {  	[tilespmem:s29+$0xFFFFFB40] =	vst v35;
	v35 =	vld.idx.msk [tilespmem:v12+s16+$0x0], $0xffff  }
0x288: {  	[tilespmem:s29+$0xFFFFFB50] =	vst v31;
	v31 =	vld.idx.msk [tilespmem:v10+s16+$0x0], $0xffff  }
0x289: {  	[tilespmem:s29+$0xFFFFFB60] =	vst v36;
	v36 =	vld.idx.msk [tilespmem:v8+s16+$0x0], $0xffff  }
0x28a: {  	[tilespmem:s29+$0xFFFFFB70] =	vst v32;
	v32 =	vld.idx.msk [tilespmem:v13+s16+$0x0], $0xffff  }
0x28b: {  	[tilespmem:s29+$0xFFFFFB80] =	vst v33;
	v33 =	vld.idx.msk [tilespmem:v11+s16+$0x0], $0xffff  }
0x28c: {  	[tilespmem:s29+$0xFFFFFD10] =	vst v34;
	v34 =	vld.idx.msk [tilespmem:v9+s16+$0x0], $0xffff  }
0x28d: {  	[tilespmem:s29+$0xFFFFFD20] =	vst v35;
	v35 =	vld.idx.msk [tilespmem:v6+s16+$0x0], $0xffff  }
0x28e: {  	[tilespmem:s29+$0xFFFFFD30] =	vst v31;
	v31 =	vld.idx.msk [tilespmem:v4+s16+$0x0], $0xffff  }
0x28f: {  	[tilespmem:s29+$0xFFFFFD40] =	vst v36;
	v36 =	vld.idx.msk [tilespmem:v2+s16+$0x0], $0xffff  }
0x290: {  	[tilespmem:s29+$0xFFFFFD50] =	vst v32;
	v32 =	vld.idx.msk [tilespmem:v7+s16+$0x0], $0xffff  }
0x291: {  	[tilespmem:s29+$0xFFFFFD60] =	vst v33;
	v33 =	vld.idx.msk [tilespmem:v5+s16+$0x0], $0xffff  }
0x292: {  	[tilespmem:s29+$0xFFFFFD70] =	vst v34;
	v34 =	vld.idx.msk [tilespmem:v3+s16+$0x0], $0xffff  }
0x293: {  	[tilespmem:s29+$0xFFFFFD80] =	vst v35;
	v35 =	vld.idx.msk [tilespmem:v1+s16+$0x0], $0xffff  }
0x294: {  	[tilespmem:s29+$0xFFFFFF10] =	vst v31;
	v31 =	vld.idx.msk [tilespmem:v0+s16+$0x0], $0xffff  }
0x295: {  	v30 =	vld.idx.msk [tilespmem:v30+s17+$0x0], $0xffff;
	[tilespmem:s29+$0xFFFFFF20] =	vst v36  }
0x296: {  	v23 =	vld.idx.msk [tilespmem:v23+s17+$0x0], $0xffff;
	[tilespmem:s29+$0xFFFFFF30] =	vst v32  }
0x297: {  	v26 =	vld.idx.msk [tilespmem:v26+s17+$0x0], $0xffff;
	[tilespmem:s29+$0xFFFFFF40] =	vst v33  }
0x298: {  	v27 =	vld.idx.msk [tilespmem:v27+s17+$0x0], $0xffff;
	[tilespmem:s29+$0xFFFFFF50] =	vst v34  }
0x299: {  	v28 =	vld.idx.msk [tilespmem:v28+s17+$0x0], $0xffff;
	[tilespmem:s29+$0xFFFFFF60] =	vst v35  }
0x29a: {  	v29 =	vld.idx.msk [tilespmem:v29+s17+$0x0], $0xffff;
	[tilespmem:s29+$0xFFFFFF70] =	vst v31  }
0x29b: {  	[tilespmem:s29+$0xFFFFF990] =	vst v30;
	v24 =	vld.idx.msk [tilespmem:v24+s17+$0x0], $0xffff  }
0x29c: {  	[tilespmem:s29+$0xFFFFF9A0] =	vst v23;
	v21 =	vld.idx.msk [tilespmem:v21+s17+$0x0], $0xffff  }
0x29d: {  	[tilespmem:s29+$0xFFFFF9B0] =	vst v26;
	v23 =	vld.idx.msk [tilespmem:v25+s17+$0x0], $0xffff  }
0x29e: {  	[tilespmem:s29+$0xFFFFF9C0] =	vst v27;
	v22 =	vld.idx.msk [tilespmem:v22+s17+$0x0], $0xffff  }
0x29f: {  	[tilespmem:s29+$0xFFFFF9D0] =	vst v28;
	v19 =	vld.idx.msk [tilespmem:v19+s17+$0x0], $0xffff  }
0x2a0: {  	[tilespmem:s29+$0xFFFFF9E0] =	vst v29;
	v17 =	vld.idx.msk [tilespmem:v17+s17+$0x0], $0xffff  }
0x2a1: {  	[tilespmem:s29+$0xFFFFF9F0] =	vst v24;
	v14 =	vld.idx.msk [tilespmem:v14+s17+$0x0], $0xffff  }
0x2a2: {  	[tilespmem:s29+$0xFFFFFA00] =	vst v21;
	v15 =	vld.idx.msk [tilespmem:v15+s17+$0x0], $0xffff  }
0x2a3: {  	[tilespmem:s29+$0xFFFFFB90] =	vst v23;
	v20 =	vld.idx.msk [tilespmem:v20+s17+$0x0], $0xffff  }
0x2a4: {  	[tilespmem:s29+$0xFFFFFBA0] =	vst v22;
	v18 =	vld.idx.msk [tilespmem:v18+s17+$0x0], $0xffff  }
0x2a5: {  	[tilespmem:s29+$0xFFFFFBB0] =	vst v19;
	v16 =	vld.idx.msk [tilespmem:v16+s17+$0x0], $0xffff  }
0x2a6: {  	[tilespmem:s29+$0xFFFFFBC0] =	vst v17;
	v12 =	vld.idx.msk [tilespmem:v12+s17+$0x0], $0xffff  }
0x2a7: {  	[tilespmem:s29+$0xFFFFFBD0] =	vst v14;
	v10 =	vld.idx.msk [tilespmem:v10+s17+$0x0], $0xffff  }
0x2a8: {  	[tilespmem:s29+$0xFFFFFBE0] =	vst v15;
	v8 =	vld.idx.msk [tilespmem:v8+s17+$0x0], $0xffff  }
0x2a9: {  	[tilespmem:s29+$0xFFFFFBF0] =	vst v20;
	v13 =	vld.idx.msk [tilespmem:v13+s17+$0x0], $0xffff  }
0x2aa: {  	[tilespmem:s29+$0xFFFFFC00] =	vst v18;
	v11 =	vld.idx.msk [tilespmem:v11+s17+$0x0], $0xffff  }
0x2ab: {  	[tilespmem:s29+$0xFFFFFD90] =	vst v16;
	v9 =	vld.idx.msk [tilespmem:v9+s17+$0x0], $0xffff  }
0x2ac: {  	[tilespmem:s29+$0xFFFFFDA0] =	vst v12;
	v12 =	vld.idx.msk [tilespmem:v6+s17+$0x0], $0xffff  }
0x2ad: {  	[tilespmem:s29+$0xFFFFFDB0] =	vst v10;
	v10 =	vld.idx.msk [tilespmem:v4+s17+$0x0], $0xffff  }
0x2ae: {  	[tilespmem:s29+$0xFFFFFDC0] =	vst v8;
	v8 =	vld.idx.msk [tilespmem:v2+s17+$0x0], $0xffff  }
.Ltmp4:
0x2af: {  	[tilespmem:s29+$0xFFFFFDD0] =	vst v13;
	v6 =	vld.idx.msk [tilespmem:v7+s17+$0x0], $0xffff;
	(pc) =	sbr.rel @p0 .LBB2_9-.Ltmp4, $4  }
0x2b0: {  	[tilespmem:s29+$0xFFFFFDE0] =	vst v11;
	v4 =	vld.idx.msk [tilespmem:v5+s17+$0x0], $0xffff  }
0x2b1: {  	[tilespmem:s29+$0xFFFFFDF0] =	vst v9;
	v2 =	vld.idx.msk [tilespmem:v3+s17+$0x0], $0xffff  }
0x2b2: {  	[tilespmem:s29+$0xFFFFFE00] =	vst v12;
	v1 =	vld.idx.msk [tilespmem:v1+s17+$0x0], $0xffff  }
0x2b3: {  	s31 =	sadd.s32 $0x100, s31;
	[tilespmem:s29+$0xFFFFFF90] =	vst v10;
	v0 =	vld.idx.msk [tilespmem:v0+s17+$0x0], $0xffff  }
0x2b4: {  	[tilespmem:s29+$0xFFFFFFA0] =	vst v8;
	s26 =	sadd.s32 $0x1, s26  }
0x2b5: {  	[tilespmem:s29+$0xFFFFFFB0] =	vst v6;
	p0 =	sne.s32 s26, $0x19  }
.Ltmp5:
0x2b6: {  	[tilespmem:s29+$0xFFFFFFC0] =	vst v4;
	(pc) =	sbr.rel @p0 .LBB2_2-.Ltmp5, $4  }
0x2b7: {  	s28 =	sor.u32 s9, s28;
	[tilespmem:s29+$0xFFFFFFD0] =	vst v2  }
0x2b8: {  	s28 =	sshrl.u32 s28, $0x3;
	[tilespmem:s29+$0xFFFFFFE0] =	vst v1  }
0x2b9: {  	s28 =	sadd.s32 s2, s28;
	[tilespmem:s29+$0xFFFFFFF0] =	vst v0  }
0x2ba: {  	[hbm4b:s28+s18] =	stream.strided.scatter [tilespmem:s23], [sflag:$0x4], $0x2000, s19, s18, $0x38;
	[tilespmem:$0x5080] =	vst v63  }
0x2bb: {  	s25 =	sadd.s32 $0x1, s25  }
0x2bc: {  	_ =	swait.ge [sflag:s24], $0x2000;
	p0 =	sne.s32 s25, s10  }
.Ltmp6:
0x2bd: {  	[sflag:s24] =	ssyncset.done $0x0;
	(pc) =	sbr.rel @p0 .LBB2_1-.Ltmp6, $4  }
0x2be: {  	[sflag:s24] =	ssyncadd.s32 $0xFFFFE000  }
0x2bf: {  	_ =	swait.ge [sflag:s22], $0x2000  }
0x2c0: {  	[sflag:s22] =	ssyncset.done $0x0  }
0x2c1: {  	[sflag:s22] =	ssyncadd.s32 $0xFFFFE000  }
0x2c2: {  	_ =	sfence.sel $0x180000  }
0x2c3: {  	[bflag:$0x0] =	sbarrier.arrive $0xFFFF  }
0x2c4: {  	p0 =	sne.s32 s1, $0x0;
	_ =	strace $0x90000047  }
0x2c5: {  	s0 =	sadd.s32 @!p0 $0x100000, s0;
	[bflag:$0x2] =	sbarrier.arrive $0xFFFF  }
0x2c6: {  	[sflag:s0] =	ssyncadd.tile.s32 @!p0 $0x1;
	_ =	shalt  }
.Lfunc_end2:
_tile_overlayer_lowered:
.L_overlay_start_2:
0x2c7: {  	(tag) =	ssettag $0x2  }
0x2c8: {  	s0 =	rddreg [dreg:$0x0];
	s2 =	stileid.u32  }
0x2c9: {  	s1 =	rddreg [dreg:$0x1];
	p0 =	sne.s32 s2, $0x0  }
0x2ca: {  	s3 =	rddreg [dreg:$0x2];
	[bflag:$0x3] =	sbarrier.arrive $0xFFFF;
	s2 =	simm.s32 @!p0 $0x1C05  }
0x2cb: {  	[timem:s3], [sflag:s2] =	dma.local @!p0 [hbm:s0], s1  }
0x2cc: {  	s0 =	simm.s32 @!p0 $0x5  }
0x2cd: {  	_ =	swait.ge @!p0 [sflag:s0], s1  }
0x2ce: {  	s1 =	ssub.s32 @!p0 $0x0, s1;
	[sflag:s0] =	ssyncset.done @!p0 $0x0  }
0x2cf: {  	[sflag:s0] =	ssyncadd.s32 @!p0 s1  }
0x2d0: {  	[bflag:$0x3] =	sbarrier.arrive $0xFFFF  }
0x2d1: {  	_ =	shalt  }

</sc_bundles>
